<compile_context>
chip_gen: v7x
topology: tpu7x:2x2x1
jax: 0.10.2.dev20260603
libtpu: 0.0.44.dev20260713+nightly
codegen_flags: <defaults>
</compile_context>

<pallas_src>
import jax
import jax.numpy as jnp
from jax import lax
from jax.experimental import pallas as pl
from jax.experimental.pallas import tpu as pltpu
from jax.experimental.pallas import tpu_sc as plsc

NC = 2
NS = 16
NW = NC * NS
LANES = 16

BATCH = 16384
LABELS = 50
EMBED = 64
EPAD = 128

BW = BATCH // NW
CHUNK = 128
NSUB = BW // CHUNK
NCHUNK = NSUB * LABELS
NBUF = 4
PB = 1024


def _slice_body(x_ref, o_ref):
  o_ref[...] = x_ref[:, pl.ds(0, EMBED)]


def _sc_body(idx_hbm, w_hbm, out_hbm, idx_v, acc_v,
             b0, b1, b2, b3, s0, s1, s2, s3):
  bufs = (b0, b1, b2, b3)
  sems = (s0, s1, s2, s3)

  wid = lax.axis_index("s") * NC + lax.axis_index("c")

  pltpu.sync_copy(idx_hbm.at[:, pl.ds(wid * BW, BW)], idx_v)

  def idx_slice(t):
    return idx_v.at[t >> 2, pl.ds((t & (NSUB - 1)) * CHUNK, CHUNK)]

  for b in range(NBUF):
    pltpu.async_copy(w_hbm.at[idx_slice(b)], bufs[b], sems[b])

  zero = jnp.zeros((LANES,), jnp.float32)

  @pl.loop(0, BW, unroll=4)
  def _zero(r):
    for c in range(EMBED // LANES):
      acc_v[r, pl.ds(c * LANES, LANES)] = zero

  @pl.loop(0, NCHUNK, step=NBUF)
  def _main(t):
    for b in range(NBUF):
      tt = t + b
      buf = bufs[b]
      sem = sems[b]
      pltpu.make_async_copy(w_hbm.at[idx_slice(tt)], buf, sem).wait()

      base = (tt & (NSUB - 1)) * CHUNK

      @pl.loop(0, CHUNK, unroll=8)
      def _accum(i):
        row = base + i
        for c in range(EMBED // LANES):
          v = buf[i, pl.ds(c * LANES, LANES)]
          plsc.addupdate(acc_v.at[row, pl.ds(c * LANES, LANES)], v)

      nxt = tt + NBUF

      @pl.when(nxt < NCHUNK)
      def _():
        pltpu.async_copy(w_hbm.at[idx_slice(nxt)], buf, sem)

  pltpu.sync_copy(acc_v, out_hbm.at[pl.ds(wid * BW, BW)])


@jax.jit
def _run(idx_t, weight):
  mesh = plsc.VectorSubcoreMesh(
      core_axis_name="c", subcore_axis_name="s",
      num_cores=NC, num_subcores=NS)
  f = pl.kernel(
      _sc_body,
      out_type=jax.ShapeDtypeStruct((BATCH, EMBED), jnp.float32),
      mesh=mesh,
      scratch_types=[
          pltpu.VMEM((LABELS, BW), jnp.int32),
          pltpu.VMEM((BW, EMBED), jnp.float32),
      ] + [pltpu.VMEM((CHUNK, EMBED), jnp.float32)] * NBUF
        + [pltpu.SemaphoreType.DMA] * NBUF,
      compiler_params=pltpu.CompilerParams(use_tc_tiling_on_sc=False,
                                           needs_layout_passes=False),
  )
  return f(idx_t, weight)


def kernel(inputs, weight):
  return _run(inputs.astype(jnp.int32).T, weight)

# --- scband reference (transcript-rebuilt; emitter-appended) ---
"""Pipeline reference for scband-multi-label-embedding-26053271617821 (READ-ONLY COPY).

The authoritative reference and input builder live on the scoring server;
editing this copy changes nothing except your own understanding.
"""

import jax, jax.numpy as jnp
import numpy as np

VOCAB = 1000000
EMBED = 64
BATCH = 16384
LABELS = 50

def setup_inputs(seed: int = 0) -> dict:
    key = jax.random.key(seed)
    k_idx, k_w = jax.random.split(key)
    inputs = jax.random.randint(k_idx, (BATCH, LABELS), 0, VOCAB, dtype=jnp.int64 if jax.config.jax_enable_x64 else jnp.int32)
    weight = jax.random.normal(k_w, (VOCAB, EMBED), dtype=jnp.float32) * 0.2745960056781769
    return {"inputs": inputs, "weight": weight}

def reference(inputs, weight):
    # h = weight[inputs]; h = h.sum(axis=-2)
    h = jnp.take(weight, inputs, axis=0)  # [B, L, E]
    h = h.sum(axis=-2)                     # [B, E]
    return h

if __name__ == "__main__":
    import jax
    _d = setup_inputs()
    print(jax.jit(kernel)(*tuple(_d.values())))

</pallas_src>

<mosaic_0001>
#map = affine_map<(d0, d1) -> (0, 0)>
module attributes {stable_mosaic.version = 14 : i64} {
  func.func @_sc_body(%arg0: i32, %arg1: i32, %arg2: memref<50x16384xi32, #tpu.memory_space<hbm>>, %arg3: memref<1000000x64xf32, #tpu.memory_space<hbm>>, %arg4: memref<16384x64xf32, #tpu.memory_space<hbm>>, %arg5: memref<50x512xi32, #tpu.memory_space<vmem>>, %arg6: memref<512x64xf32, #tpu.memory_space<vmem>>, %arg7: memref<128x64xf32, #tpu.memory_space<vmem>>, %arg8: memref<128x64xf32, #tpu.memory_space<vmem>>, %arg9: memref<128x64xf32, #tpu.memory_space<vmem>>, %arg10: memref<128x64xf32, #tpu.memory_space<vmem>>, %arg11: memref<!tpu.dma_semaphore, #tpu.memory_space<semaphore_mem>>, %arg12: memref<!tpu.dma_semaphore, #tpu.memory_space<semaphore_mem>>, %arg13: memref<!tpu.dma_semaphore, #tpu.memory_space<semaphore_mem>>, %arg14: memref<!tpu.dma_semaphore, #tpu.memory_space<semaphore_mem>>) attributes {dimension_semantics = [#tpu.dimension_semantics<core_parallel>, #tpu.dimension_semantics<subcore_parallel>], iteration_bounds = array<i64: 2, 16>, scalar_prefetch = 0 : i64, scratch_operands = 10 : i64, tpu.core_type = #tpu.core_type<sc_vector_subcore>, window_params = [{transform_indices = #map}, {transform_indices = #map}, {transform_indices = #map}]} {
    %mul3A = arith.constant 2 : i32
    %mul3A_0 = arith.muli %arg1, %mul3A : i32
    %add3A = arith.addi %mul3A_0, %arg0 : i32
    %mul3A_1 = arith.constant 512 : i32
    %mul3A_2 = arith.muli %add3A, %mul3A_1 : i32
    "tpu.region"() ({
      %run_scoped3A = tpu.sem_alloc : memref<!tpu.dma_semaphore, #tpu.memory_space<semaphore_mem>>
      %dma_start3A_42 = arith.constant 0 : i32
      %dma_start3A_43 = tpu.memref_slice %arg2[%dma_start3A_42, %mul3A_2] : memref<50x16384xi32, #tpu.memory_space<hbm>> -> memref<50x512xi32, #tpu.memory_space<hbm>>
      %dma_start3A_44 = arith.constant 0 : i32
      %dma_start3A_45 = tpu.memref_slice %arg2[%dma_start3A_44, %mul3A_2] : memref<50x16384xi32, #tpu.memory_space<hbm>> -> memref<50x512xi32, #tpu.memory_space<hbm>>
      tpu.enqueue_dma source(%dma_start3A_45 : memref<50x512xi32, #tpu.memory_space<hbm>>) target(%arg5 : memref<50x512xi32, #tpu.memory_space<vmem>>) target_semaphore(%run_scoped3A : memref<!tpu.dma_semaphore, #tpu.memory_space<semaphore_mem>>)
      %dma_wait3A = arith.constant 0 : i32
      %dma_wait3A_46 = tpu.memref_slice %arg2[%dma_wait3A, %mul3A_2] : memref<50x16384xi32, #tpu.memory_space<hbm>> -> memref<50x512xi32, #tpu.memory_space<hbm>>
      %dma_wait3A_47 = arith.constant 0 : i32
      %dma_wait3A_48 = tpu.memref_slice %arg2[%dma_wait3A_47, %mul3A_2] : memref<50x16384xi32, #tpu.memory_space<hbm>> -> memref<50x512xi32, #tpu.memory_space<hbm>>
      tpu.wait_dma2 semaphore(%run_scoped3A : memref<!tpu.dma_semaphore, #tpu.memory_space<semaphore_mem>>) src(%dma_wait3A_48 : memref<50x512xi32, #tpu.memory_space<hbm>>) dst(%arg5 : memref<50x512xi32, #tpu.memory_space<vmem>>)
      tpu.yield
    }) : () -> ()
    %dma_start3A = arith.constant 0 : i32
    %dma_start3A_3 = arith.constant 0 : i32
    %dma_start3A_4 = tpu.memref_slice %arg5[%dma_start3A, %dma_start3A_3] : memref<50x512xi32, #tpu.memory_space<vmem>> -> memref<1x128xi32, #tpu.memory_space<vmem>>
    %dma_start3A_5 = tpu.memref_squeeze %dma_start3A_4 : memref<1x128xi32, #tpu.memory_space<vmem>> -> memref<128xi32, #tpu.memory_space<vmem>>
    %dma_start3A_6 = arith.constant 0 : i32
    %dma_start3A_7 = arith.constant 0 : i32
    %dma_start3A_8 = tpu.memref_slice %arg3[%dma_start3A_6, %dma_start3A_7] : memref<1000000x64xf32, #tpu.memory_space<hbm>> -> memref<1000000x64xf32, #tpu.memory_space<hbm>>
    tpu.enqueue_indirect_dma source(%dma_start3A_8 : memref<1000000x64xf32, #tpu.memory_space<hbm>>) target(%arg7 : memref<128x64xf32, #tpu.memory_space<vmem>>) offsets(%dma_start3A_5 : memref<128xi32, #tpu.memory_space<vmem>>) semaphore(%arg11 : memref<!tpu.dma_semaphore, #tpu.memory_space<semaphore_mem>>)
    %dma_start3A_9 = arith.constant 0 : i32
    %dma_start3A_10 = arith.constant 128 : i32
    %dma_start3A_11 = tpu.memref_slice %arg5[%dma_start3A_9, %dma_start3A_10] : memref<50x512xi32, #tpu.memory_space<vmem>> -> memref<1x128xi32, #tpu.memory_space<vmem>>
    %dma_start3A_12 = tpu.memref_squeeze %dma_start3A_11 : memref<1x128xi32, #tpu.memory_space<vmem>> -> memref<128xi32, #tpu.memory_space<vmem>>
    %dma_start3A_13 = arith.constant 0 : i32
    %dma_start3A_14 = arith.constant 0 : i32
    %dma_start3A_15 = tpu.memref_slice %arg3[%dma_start3A_13, %dma_start3A_14] : memref<1000000x64xf32, #tpu.memory_space<hbm>> -> memref<1000000x64xf32, #tpu.memory_space<hbm>>
    tpu.enqueue_indirect_dma source(%dma_start3A_15 : memref<1000000x64xf32, #tpu.memory_space<hbm>>) target(%arg8 : memref<128x64xf32, #tpu.memory_space<vmem>>) offsets(%dma_start3A_12 : memref<128xi32, #tpu.memory_space<vmem>>) semaphore(%arg12 : memref<!tpu.dma_semaphore, #tpu.memory_space<semaphore_mem>>)
    %dma_start3A_16 = arith.constant 0 : i32
    %dma_start3A_17 = arith.constant 256 : i32
    %dma_start3A_18 = tpu.memref_slice %arg5[%dma_start3A_16, %dma_start3A_17] : memref<50x512xi32, #tpu.memory_space<vmem>> -> memref<1x128xi32, #tpu.memory_space<vmem>>
    %dma_start3A_19 = tpu.memref_squeeze %dma_start3A_18 : memref<1x128xi32, #tpu.memory_space<vmem>> -> memref<128xi32, #tpu.memory_space<vmem>>
    %dma_start3A_20 = arith.constant 0 : i32
    %dma_start3A_21 = arith.constant 0 : i32
    %dma_start3A_22 = tpu.memref_slice %arg3[%dma_start3A_20, %dma_start3A_21] : memref<1000000x64xf32, #tpu.memory_space<hbm>> -> memref<1000000x64xf32, #tpu.memory_space<hbm>>
    tpu.enqueue_indirect_dma source(%dma_start3A_22 : memref<1000000x64xf32, #tpu.memory_space<hbm>>) target(%arg9 : memref<128x64xf32, #tpu.memory_space<vmem>>) offsets(%dma_start3A_19 : memref<128xi32, #tpu.memory_space<vmem>>) semaphore(%arg13 : memref<!tpu.dma_semaphore, #tpu.memory_space<semaphore_mem>>)
    %dma_start3A_23 = arith.constant 0 : i32
    %dma_start3A_24 = arith.constant 384 : i32
    %dma_start3A_25 = tpu.memref_slice %arg5[%dma_start3A_23, %dma_start3A_24] : memref<50x512xi32, #tpu.memory_space<vmem>> -> memref<1x128xi32, #tpu.memory_space<vmem>>
    %dma_start3A_26 = tpu.memref_squeeze %dma_start3A_25 : memref<1x128xi32, #tpu.memory_space<vmem>> -> memref<128xi32, #tpu.memory_space<vmem>>
    %dma_start3A_27 = arith.constant 0 : i32
    %dma_start3A_28 = arith.constant 0 : i32
    %dma_start3A_29 = tpu.memref_slice %arg3[%dma_start3A_27, %dma_start3A_28] : memref<1000000x64xf32, #tpu.memory_space<hbm>> -> memref<1000000x64xf32, #tpu.memory_space<hbm>>
    tpu.enqueue_indirect_dma source(%dma_start3A_29 : memref<1000000x64xf32, #tpu.memory_space<hbm>>) target(%arg10 : memref<128x64xf32, #tpu.memory_space<vmem>>) offsets(%dma_start3A_26 : memref<128xi32, #tpu.memory_space<vmem>>) semaphore(%arg14 : memref<!tpu.dma_semaphore, #tpu.memory_space<semaphore_mem>>)
    %broadcast_in_dim3A = arith.constant 0.000000e+00 : f32
    %broadcast_in_dim3A_30 = vector.broadcast %broadcast_in_dim3A : f32 to vector<16xf32>
    %scan3A = arith.constant 0 : i32
    %scan3A_31 = arith.constant 512 : i32
    %scan3A_32 = arith.addi %scan3A, %scan3A_31 : i32
    %scan3A_33 = arith.constant 4 : i32
    scf.for %scan3A_42 = %scan3A to %scan3A_32 step %scan3A_33  : i32 {
      %mul3A_43 = arith.constant 1 : i32
      %mul3A_44 = arith.muli %scan3A_42, %mul3A_43 : i32
      %add3A_45 = arith.constant 0 : i32
      %add3A_46 = arith.addi %add3A_45, %mul3A_44 : i32
      %swap3A = arith.index_cast %add3A_46 : i32 to index
      %swap3A_47 = arith.constant 0 : index
      %swap3A_48 = tpu.vector_load %arg6[%swap3A, %swap3A_47] {strides = array<i32>} : memref<512x64xf32, #tpu.memory_space<vmem>>, vector<16xf32>,
      tpu.vector_store %arg6[%swap3A, %swap3A_47], %broadcast_in_dim3A_30 {strides = array<i32>} : memref<512x64xf32, #tpu.memory_space<vmem>>, vector<16xf32>,
      %swap3A_49 = arith.index_cast %add3A_46 : i32 to index
      %swap3A_50 = arith.constant 16 : index
      %swap3A_51 = tpu.vector_load %arg6[%swap3A_49, %swap3A_50] {strides = array<i32>} : memref<512x64xf32, #tpu.memory_space<vmem>>, vector<16xf32>,
      tpu.vector_store %arg6[%swap3A_49, %swap3A_50], %broadcast_in_dim3A_30 {strides = array<i32>} : memref<512x64xf32, #tpu.memory_space<vmem>>, vector<16xf32>,
      %swap3A_52 = arith.index_cast %add3A_46 : i32 to index
      %swap3A_53 = arith.constant 32 : index
      %swap3A_54 = tpu.vector_load %arg6[%swap3A_52, %swap3A_53] {strides = array<i32>} : memref<512x64xf32, #tpu.memory_space<vmem>>, vector<16xf32>,
      tpu.vector_store %arg6[%swap3A_52, %swap3A_53], %broadcast_in_dim3A_30 {strides = array<i32>} : memref<512x64xf32, #tpu.memory_space<vmem>>, vector<16xf32>,
      %swap3A_55 = arith.index_cast %add3A_46 : i32 to index
      %swap3A_56 = arith.constant 48 : index
      %swap3A_57 = tpu.vector_load %arg6[%swap3A_55, %swap3A_56] {strides = array<i32>} : memref<512x64xf32, #tpu.memory_space<vmem>>, vector<16xf32>,
      tpu.vector_store %arg6[%swap3A_55, %swap3A_56], %broadcast_in_dim3A_30 {strides = array<i32>} : memref<512x64xf32, #tpu.memory_space<vmem>>, vector<16xf32>,
      %scan3A_58 = arith.constant 1 : i32
      %scan3A_59 = arith.addi %scan3A_42, %scan3A_58 : i32
      %mul3A_60 = arith.constant 1 : i32
      %mul3A_61 = arith.muli %scan3A_59, %mul3A_60 : i32
      %add3A_62 = arith.constant 0 : i32
      %add3A_63 = arith.addi %add3A_62, %mul3A_61 : i32
      %swap3A_64 = arith.index_cast %add3A_63 : i32 to index
      %swap3A_65 = arith.constant 0 : index
      %swap3A_66 = tpu.vector_load %arg6[%swap3A_64, %swap3A_65] {strides = array<i32>} : memref<512x64xf32, #tpu.memory_space<vmem>>, vector<16xf32>,
      tpu.vector_store %arg6[%swap3A_64, %swap3A_65], %broadcast_in_dim3A_30 {strides = array<i32>} : memref<512x64xf32, #tpu.memory_space<vmem>>, vector<16xf32>,
      %swap3A_67 = arith.index_cast %add3A_63 : i32 to index
      %swap3A_68 = arith.constant 16 : index
      %swap3A_69 = tpu.vector_load %arg6[%swap3A_67, %swap3A_68] {strides = array<i32>} : memref<512x64xf32, #tpu.memory_space<vmem>>, vector<16xf32>,
      tpu.vector_store %arg6[%swap3A_67, %swap3A_68], %broadcast_in_dim3A_30 {strides = array<i32>} : memref<512x64xf32, #tpu.memory_space<vmem>>, vector<16xf32>,
      %swap3A_70 = arith.index_cast %add3A_63 : i32 to index
      %swap3A_71 = arith.constant 32 : index
      %swap3A_72 = tpu.vector_load %arg6[%swap3A_70, %swap3A_71] {strides = array<i32>} : memref<512x64xf32, #tpu.memory_space<vmem>>, vector<16xf32>,
      tpu.vector_store %arg6[%swap3A_70, %swap3A_71], %broadcast_in_dim3A_30 {strides = array<i32>} : memref<512x64xf32, #tpu.memory_space<vmem>>, vector<16xf32>,
      %swap3A_73 = arith.index_cast %add3A_63 : i32 to index
      %swap3A_74 = arith.constant 48 : index
      %swap3A_75 = tpu.vector_load %arg6[%swap3A_73, %swap3A_74] {strides = array<i32>} : memref<512x64xf32, #tpu.memory_space<vmem>>, vector<16xf32>,
      tpu.vector_store %arg6[%swap3A_73, %swap3A_74], %broadcast_in_dim3A_30 {strides = array<i32>} : memref<512x64xf32, #tpu.memory_space<vmem>>, vector<16xf32>,
      %scan3A_76 = arith.constant 2 : i32
      %scan3A_77 = arith.addi %scan3A_42, %scan3A_76 : i32
      %mul3A_78 = arith.constant 1 : i32
      %mul3A_79 = arith.muli %scan3A_77, %mul3A_78 : i32
      %add3A_80 = arith.constant 0 : i32
      %add3A_81 = arith.addi %add3A_80, %mul3A_79 : i32
      %swap3A_82 = arith.index_cast %add3A_81 : i32 to index
      %swap3A_83 = arith.constant 0 : index
      %swap3A_84 = tpu.vector_load %arg6[%swap3A_82, %swap3A_83] {strides = array<i32>} : memref<512x64xf32, #tpu.memory_space<vmem>>, vector<16xf32>,
      tpu.vector_store %arg6[%swap3A_82, %swap3A_83], %broadcast_in_dim3A_30 {strides = array<i32>} : memref<512x64xf32, #tpu.memory_space<vmem>>, vector<16xf32>,
      %swap3A_85 = arith.index_cast %add3A_81 : i32 to index
      %swap3A_86 = arith.constant 16 : index
      %swap3A_87 = tpu.vector_load %arg6[%swap3A_85, %swap3A_86] {strides = array<i32>} : memref<512x64xf32, #tpu.memory_space<vmem>>, vector<16xf32>,
      tpu.vector_store %arg6[%swap3A_85, %swap3A_86], %broadcast_in_dim3A_30 {strides = array<i32>} : memref<512x64xf32, #tpu.memory_space<vmem>>, vector<16xf32>,
      %swap3A_88 = arith.index_cast %add3A_81 : i32 to index
      %swap3A_89 = arith.constant 32 : index
      %swap3A_90 = tpu.vector_load %arg6[%swap3A_88, %swap3A_89] {strides = array<i32>} : memref<512x64xf32, #tpu.memory_space<vmem>>, vector<16xf32>,
      tpu.vector_store %arg6[%swap3A_88, %swap3A_89], %broadcast_in_dim3A_30 {strides = array<i32>} : memref<512x64xf32, #tpu.memory_space<vmem>>, vector<16xf32>,
      %swap3A_91 = arith.index_cast %add3A_81 : i32 to index
      %swap3A_92 = arith.constant 48 : index
      %swap3A_93 = tpu.vector_load %arg6[%swap3A_91, %swap3A_92] {strides = array<i32>} : memref<512x64xf32, #tpu.memory_space<vmem>>, vector<16xf32>,
      tpu.vector_store %arg6[%swap3A_91, %swap3A_92], %broadcast_in_dim3A_30 {strides = array<i32>} : memref<512x64xf32, #tpu.memory_space<vmem>>, vector<16xf32>,
      %scan3A_94 = arith.constant 3 : i32
      %scan3A_95 = arith.addi %scan3A_42, %scan3A_94 : i32
      %mul3A_96 = arith.constant 1 : i32
      %mul3A_97 = arith.muli %scan3A_95, %mul3A_96 : i32
      %add3A_98 = arith.constant 0 : i32
      %add3A_99 = arith.addi %add3A_98, %mul3A_97 : i32
      %swap3A_100 = arith.index_cast %add3A_99 : i32 to index
      %swap3A_101 = arith.constant 0 : index
      %swap3A_102 = tpu.vector_load %arg6[%swap3A_100, %swap3A_101] {strides = array<i32>} : memref<512x64xf32, #tpu.memory_space<vmem>>, vector<16xf32>,
      tpu.vector_store %arg6[%swap3A_100, %swap3A_101], %broadcast_in_dim3A_30 {strides = array<i32>} : memref<512x64xf32, #tpu.memory_space<vmem>>, vector<16xf32>,
      %swap3A_103 = arith.index_cast %add3A_99 : i32 to index
      %swap3A_104 = arith.constant 16 : index
      %swap3A_105 = tpu.vector_load %arg6[%swap3A_103, %swap3A_104] {strides = array<i32>} : memref<512x64xf32, #tpu.memory_space<vmem>>, vector<16xf32>,
      tpu.vector_store %arg6[%swap3A_103, %swap3A_104], %broadcast_in_dim3A_30 {strides = array<i32>} : memref<512x64xf32, #tpu.memory_space<vmem>>, vector<16xf32>,
      %swap3A_106 = arith.index_cast %add3A_99 : i32 to index
      %swap3A_107 = arith.constant 32 : index
      %swap3A_108 = tpu.vector_load %arg6[%swap3A_106, %swap3A_107] {strides = array<i32>} : memref<512x64xf32, #tpu.memory_space<vmem>>, vector<16xf32>,
      tpu.vector_store %arg6[%swap3A_106, %swap3A_107], %broadcast_in_dim3A_30 {strides = array<i32>} : memref<512x64xf32, #tpu.memory_space<vmem>>, vector<16xf32>,
      %swap3A_109 = arith.index_cast %add3A_99 : i32 to index
      %swap3A_110 = arith.constant 48 : index
      %swap3A_111 = tpu.vector_load %arg6[%swap3A_109, %swap3A_110] {strides = array<i32>} : memref<512x64xf32, #tpu.memory_space<vmem>>, vector<16xf32>,
      tpu.vector_store %arg6[%swap3A_109, %swap3A_110], %broadcast_in_dim3A_30 {strides = array<i32>} : memref<512x64xf32, #tpu.memory_space<vmem>>, vector<16xf32>,
    }
    %scan3A_34 = arith.constant 512 : i32
    %scan3A_35 = arith.constant 0 : i32
    %scan3A_36 = arith.constant 50 : i32
    %scan3A_37 = arith.addi %scan3A_35, %scan3A_36 : i32
    %scan3A_38 = arith.constant 1 : i32
    scf.for %scan3A_42 = %scan3A_35 to %scan3A_37 step %scan3A_38  : i32 {
      %mul3A_43 = arith.constant 4 : i32
      %mul3A_44 = arith.muli %scan3A_42, %mul3A_43 : i32
      %add3A_45 = arith.constant 0 : i32
      %add3A_46 = arith.addi %add3A_45, %mul3A_44 : i32
      %add3A_47 = arith.constant 0 : i32
      %add3A_48 = arith.addi %add3A_46, %add3A_47 : i32
      %shift_right_arithmetic3A = arith.constant 2 : i32
      %shift_right_arithmetic3A_49 = arith.shrsi %add3A_48, %shift_right_arithmetic3A : i32
      %and3A = arith.constant 3 : i32
      %and3A_50 = arith.andi %add3A_48, %and3A : i32
      %mul3A_51 = arith.constant 128 : i32
      %mul3A_52 = arith.muli %and3A_50, %mul3A_51 : i32
      %dma_wait3A = tpu.memref_slice %arg5[%shift_right_arithmetic3A_49, %mul3A_52] : memref<50x512xi32, #tpu.memory_space<vmem>> -> memref<1x128xi32, #tpu.memory_space<vmem>>
      %dma_wait3A_53 = tpu.memref_squeeze %dma_wait3A : memref<1x128xi32, #tpu.memory_space<vmem>> -> memref<128xi32, #tpu.memory_space<vmem>>
      %dma_wait3A_54 = arith.constant 0 : i32
      %dma_wait3A_55 = arith.constant 0 : i32
      %dma_wait3A_56 = tpu.memref_slice %arg3[%dma_wait3A_54, %dma_wait3A_55] : memref<1000000x64xf32, #tpu.memory_space<hbm>> -> memref<1000000x64xf32, #tpu.memory_space<hbm>>
      tpu.wait_indirect_dma semaphore(%arg11 : memref<!tpu.dma_semaphore, #tpu.memory_space<semaphore_mem>>) src(%dma_wait3A_56 : memref<1000000x64xf32, #tpu.memory_space<hbm>>) dst(%arg7 : memref<128x64xf32, #tpu.memory_space<vmem>>)
      %and3A_57 = arith.constant 3 : i32
      %and3A_58 = arith.andi %add3A_48, %and3A_57 : i32
      %mul3A_59 = arith.constant 128 : i32
      %mul3A_60 = arith.muli %and3A_58, %mul3A_59 : i32
      %scan3A_61 = arith.constant 0 : i32
      %scan3A_62 = arith.constant 128 : i32
      %scan3A_63 = arith.addi %scan3A_61, %scan3A_62 : i32
      %scan3A_64 = arith.constant 8 : i32
      scf.for %scan3A_157 = %scan3A_61 to %scan3A_63 step %scan3A_64  : i32 {
        %mul3A_158 = arith.constant 1 : i32
        %mul3A_159 = arith.muli %scan3A_157, %mul3A_158 : i32
        %add3A_160 = arith.constant 0 : i32
        %add3A_161 = arith.addi %add3A_160, %mul3A_159 : i32
        %add3A_162 = arith.addi %mul3A_60, %add3A_161 : i32
        %get3A = arith.index_cast %add3A_161 : i32 to index
        %get3A_163 = arith.constant 0 : index
        %get3A_164 = tpu.vector_load %arg7[%get3A, %get3A_163] {strides = array<i32>} : memref<128x64xf32, #tpu.memory_space<vmem>>, vector<16xf32>,
        %swap3A = arith.index_cast %add3A_162 : i32 to index
        %swap3A_165 = arith.constant 0 : index
        %swap3A_166 = tpu.vector_load %arg6[%swap3A, %swap3A_165] {strides = array<i32>} : memref<512x64xf32, #tpu.memory_space<vmem>>, vector<16xf32>,
        tpu.vector_store %arg6[%swap3A, %swap3A_165], %get3A_164 {add = true, strides = array<i32>} : memref<512x64xf32, #tpu.memory_space<vmem>>, vector<16xf32>,
        %get3A_167 = arith.index_cast %add3A_161 : i32 to index
        %get3A_168 = arith.constant 16 : index
        %get3A_169 = tpu.vector_load %arg7[%get3A_167, %get3A_168] {strides = array<i32>} : memref<128x64xf32, #tpu.memory_space<vmem>>, vector<16xf32>,
        %swap3A_170 = arith.index_cast %add3A_162 : i32 to index
        %swap3A_171 = arith.constant 16 : index
        %swap3A_172 = tpu.vector_load %arg6[%swap3A_170, %swap3A_171] {strides = array<i32>} : memref<512x64xf32, #tpu.memory_space<vmem>>, vector<16xf32>,
        tpu.vector_store %arg6[%swap3A_170, %swap3A_171], %get3A_169 {add = true, strides = array<i32>} : memref<512x64xf32, #tpu.memory_space<vmem>>, vector<16xf32>,
        %get3A_173 = arith.index_cast %add3A_161 : i32 to index
        %get3A_174 = arith.constant 32 : index
        %get3A_175 = tpu.vector_load %arg7[%get3A_173, %get3A_174] {strides = array<i32>} : memref<128x64xf32, #tpu.memory_space<vmem>>, vector<16xf32>,
        %swap3A_176 = arith.index_cast %add3A_162 : i32 to index
        %swap3A_177 = arith.constant 32 : index
        %swap3A_178 = tpu.vector_load %arg6[%swap3A_176, %swap3A_177] {strides = array<i32>} : memref<512x64xf32, #tpu.memory_space<vmem>>, vector<16xf32>,
        tpu.vector_store %arg6[%swap3A_176, %swap3A_177], %get3A_175 {add = true, strides = array<i32>} : memref<512x64xf32, #tpu.memory_space<vmem>>, vector<16xf32>,
        %get3A_179 = arith.index_cast %add3A_161 : i32 to index
        %get3A_180 = arith.constant 48 : index
        %get3A_181 = tpu.vector_load %arg7[%get3A_179, %get3A_180] {strides = array<i32>} : memref<128x64xf32, #tpu.memory_space<vmem>>, vector<16xf32>,
        %swap3A_182 = arith.index_cast %add3A_162 : i32 to index
        %swap3A_183 = arith.constant 48 : index
        %swap3A_184 = tpu.vector_load %arg6[%swap3A_182, %swap3A_183] {strides = array<i32>} : memref<512x64xf32, #tpu.memory_space<vmem>>, vector<16xf32>,
        tpu.vector_store %arg6[%swap3A_182, %swap3A_183], %get3A_181 {add = true, strides = array<i32>} : memref<512x64xf32, #tpu.memory_space<vmem>>, vector<16xf32>,
        %scan3A_185 = arith.constant 1 : i32
        %scan3A_186 = arith.addi %scan3A_157, %scan3A_185 : i32
        %mul3A_187 = arith.constant 1 : i32
        %mul3A_188 = arith.muli %scan3A_186, %mul3A_187 : i32
        %add3A_189 = arith.constant 0 : i32
        %add3A_190 = arith.addi %add3A_189, %mul3A_188 : i32
        %add3A_191 = arith.addi %mul3A_60, %add3A_190 : i32
        %get3A_192 = arith.index_cast %add3A_190 : i32 to index
        %get3A_193 = arith.constant 0 : index
        %get3A_194 = tpu.vector_load %arg7[%get3A_192, %get3A_193] {strides = array<i32>} : memref<128x64xf32, #tpu.memory_space<vmem>>, vector<16xf32>,
        %swap3A_195 = arith.index_cast %add3A_191 : i32 to index
        %swap3A_196 = arith.constant 0 : index
        %swap3A_197 = tpu.vector_load %arg6[%swap3A_195, %swap3A_196] {strides = array<i32>} : memref<512x64xf32, #tpu.memory_space<vmem>>, vector<16xf32>,
        tpu.vector_store %arg6[%swap3A_195, %swap3A_196], %get3A_194 {add = true, strides = array<i32>} : memref<512x64xf32, #tpu.memory_space<vmem>>, vector<16xf32>,
        %get3A_198 = arith.index_cast %add3A_190 : i32 to index
        %get3A_199 = arith.constant 16 : index
        %get3A_200 = tpu.vector_load %arg7[%get3A_198, %get3A_199] {strides = array<i32>} : memref<128x64xf32, #tpu.memory_space<vmem>>, vector<16xf32>,
        %swap3A_201 = arith.index_cast %add3A_191 : i32 to index
        %swap3A_202 = arith.constant 16 : index
        %swap3A_203 = tpu.vector_load %arg6[%swap3A_201, %swap3A_202] {strides = array<i32>} : memref<512x64xf32, #tpu.memory_space<vmem>>, vector<16xf32>,
        tpu.vector_store %arg6[%swap3A_201, %swap3A_202], %get3A_200 {add = true, strides = array<i32>} : memref<512x64xf32, #tpu.memory_space<vmem>>, vector<16xf32>,
        %get3A_204 = arith.index_cast %add3A_190 : i32 to index
        %get3A_205 = arith.constant 32 : index
        %get3A_206 = tpu.vector_load %arg7[%get3A_204, %get3A_205] {strides = array<i32>} : memref<128x64xf32, #tpu.memory_space<vmem>>, vector<16xf32>,
        %swap3A_207 = arith.index_cast %add3A_191 : i32 to index
        %swap3A_208 = arith.constant 32 : index
        %swap3A_209 = tpu.vector_load %arg6[%swap3A_207, %swap3A_208] {strides = array<i32>} : memref<512x64xf32, #tpu.memory_space<vmem>>, vector<16xf32>,
        tpu.vector_store %arg6[%swap3A_207, %swap3A_208], %get3A_206 {add = true, strides = array<i32>} : memref<512x64xf32, #tpu.memory_space<vmem>>, vector<16xf32>,
        %get3A_210 = arith.index_cast %add3A_190 : i32 to index
        %get3A_211 = arith.constant 48 : index
        %get3A_212 = tpu.vector_load %arg7[%get3A_210, %get3A_211] {strides = array<i32>} : memref<128x64xf32, #tpu.memory_space<vmem>>, vector<16xf32>,
        %swap3A_213 = arith.index_cast %add3A_191 : i32 to index
        %swap3A_214 = arith.constant 48 : index
        %swap3A_215 = tpu.vector_load %arg6[%swap3A_213, %swap3A_214] {strides = array<i32>} : memref<512x64xf32, #tpu.memory_space<vmem>>, vector<16xf32>,
        tpu.vector_store %arg6[%swap3A_213, %swap3A_214], %get3A_212 {add = true, strides = array<i32>} : memref<512x64xf32, #tpu.memory_space<vmem>>, vector<16xf32>,
        %scan3A_216 = arith.constant 2 : i32
        %scan3A_217 = arith.addi %scan3A_157, %scan3A_216 : i32
        %mul3A_218 = arith.constant 1 : i32
        %mul3A_219 = arith.muli %scan3A_217, %mul3A_218 : i32
        %add3A_220 = arith.constant 0 : i32
        %add3A_221 = arith.addi %add3A_220, %mul3A_219 : i32
        %add3A_222 = arith.addi %mul3A_60, %add3A_221 : i32
        %get3A_223 = arith.index_cast %add3A_221 : i32 to index
        %get3A_224 = arith.constant 0 : index
        %get3A_225 = tpu.vector_load %arg7[%get3A_223, %get3A_224] {strides = array<i32>} : memref<128x64xf32, #tpu.memory_space<vmem>>, vector<16xf32>,
        %swap3A_226 = arith.index_cast %add3A_222 : i32 to index
        %swap3A_227 = arith.constant 0 : index
        %swap3A_228 = tpu.vector_load %arg6[%swap3A_226, %swap3A_227] {strides = array<i32>} : memref<512x64xf32, #tpu.memory_space<vmem>>, vector<16xf32>,
        tpu.vector_store %arg6[%swap3A_226, %swap3A_227], %get3A_225 {add = true, strides = array<i32>} : memref<512x64xf32, #tpu.memory_space<vmem>>, vector<16xf32>,
        %get3A_229 = arith.index_cast %add3A_221 : i32 to index
        %get3A_230 = arith.constant 16 : index
        %get3A_231 = tpu.vector_load %arg7[%get3A_229, %get3A_230] {strides = array<i32>} : memref<128x64xf32, #tpu.memory_space<vmem>>, vector<16xf32>,
        %swap3A_232 = arith.index_cast %add3A_222 : i32 to index
        %swap3A_233 = arith.constant 16 : index
        %swap3A_234 = tpu.vector_load %arg6[%swap3A_232, %swap3A_233] {strides = array<i32>} : memref<512x64xf32, #tpu.memory_space<vmem>>, vector<16xf32>,
        tpu.vector_store %arg6[%swap3A_232, %swap3A_233], %get3A_231 {add = true, strides = array<i32>} : memref<512x64xf32, #tpu.memory_space<vmem>>, vector<16xf32>,
        %get3A_235 = arith.index_cast %add3A_221 : i32 to index
        %get3A_236 = arith.constant 32 : index
        %get3A_237 = tpu.vector_load %arg7[%get3A_235, %get3A_236] {strides = array<i32>} : memref<128x64xf32, #tpu.memory_space<vmem>>, vector<16xf32>,
        %swap3A_238 = arith.index_cast %add3A_222 : i32 to index
        %swap3A_239 = arith.constant 32 : index
        %swap3A_240 = tpu.vector_load %arg6[%swap3A_238, %swap3A_239] {strides = array<i32>} : memref<512x64xf32, #tpu.memory_space<vmem>>, vector<16xf32>,
        tpu.vector_store %arg6[%swap3A_238, %swap3A_239], %get3A_237 {add = true, strides = array<i32>} : memref<512x64xf32, #tpu.memory_space<vmem>>, vector<16xf32>,
        %get3A_241 = arith.index_cast %add3A_221 : i32 to index
        %get3A_242 = arith.constant 48 : index
        %get3A_243 = tpu.vector_load %arg7[%get3A_241, %get3A_242] {strides = array<i32>} : memref<128x64xf32, #tpu.memory_space<vmem>>, vector<16xf32>,
        %swap3A_244 = arith.index_cast %add3A_222 : i32 to index
        %swap3A_245 = arith.constant 48 : index
        %swap3A_246 = tpu.vector_load %arg6[%swap3A_244, %swap3A_245] {strides = array<i32>} : memref<512x64xf32, #tpu.memory_space<vmem>>, vector<16xf32>,
        tpu.vector_store %arg6[%swap3A_244, %swap3A_245], %get3A_243 {add = true, strides = array<i32>} : memref<512x64xf32, #tpu.memory_space<vmem>>, vector<16xf32>,
        %scan3A_247 = arith.constant 3 : i32
        %scan3A_248 = arith.addi %scan3A_157, %scan3A_247 : i32
        %mul3A_249 = arith.constant 1 : i32
        %mul3A_250 = arith.muli %scan3A_248, %mul3A_249 : i32
        %add3A_251 = arith.constant 0 : i32
        %add3A_252 = arith.addi %add3A_251, %mul3A_250 : i32
        %add3A_253 = arith.addi %mul3A_60, %add3A_252 : i32
        %get3A_254 = arith.index_cast %add3A_252 : i32 to index
        %get3A_255 = arith.constant 0 : index
        %get3A_256 = tpu.vector_load %arg7[%get3A_254, %get3A_255] {strides = array<i32>} : memref<128x64xf32, #tpu.memory_space<vmem>>, vector<16xf32>,
        %swap3A_257 = arith.index_cast %add3A_253 : i32 to index
        %swap3A_258 = arith.constant 0 : index
        %swap3A_259 = tpu.vector_load %arg6[%swap3A_257, %swap3A_258] {strides = array<i32>} : memref<512x64xf32, #tpu.memory_space<vmem>>, vector<16xf32>,
        tpu.vector_store %arg6[%swap3A_257, %swap3A_258], %get3A_256 {add = true, strides = array<i32>} : memref<512x64xf32, #tpu.memory_space<vmem>>, vector<16xf32>,
        %get3A_260 = arith.index_cast %add3A_252 : i32 to index
        %get3A_261 = arith.constant 16 : index
        %get3A_262 = tpu.vector_load %arg7[%get3A_260, %get3A_261] {strides = array<i32>} : memref<128x64xf32, #tpu.memory_space<vmem>>, vector<16xf32>,
        %swap3A_263 = arith.index_cast %add3A_253 : i32 to index
        %swap3A_264 = arith.constant 16 : index
        %swap3A_265 = tpu.vector_load %arg6[%swap3A_263, %swap3A_264] {strides = array<i32>} : memref<512x64xf32, #tpu.memory_space<vmem>>, vector<16xf32>,
        tpu.vector_store %arg6[%swap3A_263, %swap3A_264], %get3A_262 {add = true, strides = array<i32>} : memref<512x64xf32, #tpu.memory_space<vmem>>, vector<16xf32>,
        %get3A_266 = arith.index_cast %add3A_252 : i32 to index
        %get3A_267 = arith.constant 32 : index
        %get3A_268 = tpu.vector_load %arg7[%get3A_266, %get3A_267] {strides = array<i32>} : memref<128x64xf32, #tpu.memory_space<vmem>>, vector<16xf32>,
        %swap3A_269 = arith.index_cast %add3A_253 : i32 to index
        %swap3A_270 = arith.constant 32 : index
        %swap3A_271 = tpu.vector_load %arg6[%swap3A_269, %swap3A_270] {strides = array<i32>} : memref<512x64xf32, #tpu.memory_space<vmem>>, vector<16xf32>,
        tpu.vector_store %arg6[%swap3A_269, %swap3A_270], %get3A_268 {add = true, strides = array<i32>} : memref<512x64xf32, #tpu.memory_space<vmem>>, vector<16xf32>,
        %get3A_272 = arith.index_cast %add3A_252 : i32 to index
        %get3A_273 = arith.constant 48 : index
        %get3A_274 = tpu.vector_load %arg7[%get3A_272, %get3A_273] {strides = array<i32>} : memref<128x64xf32, #tpu.memory_space<vmem>>, vector<16xf32>,
        %swap3A_275 = arith.index_cast %add3A_253 : i32 to index
        %swap3A_276 = arith.constant 48 : index
        %swap3A_277 = tpu.vector_load %arg6[%swap3A_275, %swap3A_276] {strides = array<i32>} : memref<512x64xf32, #tpu.memory_space<vmem>>, vector<16xf32>,
        tpu.vector_store %arg6[%swap3A_275, %swap3A_276], %get3A_274 {add = true, strides = array<i32>} : memref<512x64xf32, #tpu.memory_space<vmem>>, vector<16xf32>,
        %scan3A_278 = arith.constant 4 : i32
        %scan3A_279 = arith.addi %scan3A_157, %scan3A_278 : i32
        %mul3A_280 = arith.constant 1 : i32
        %mul3A_281 = arith.muli %scan3A_279, %mul3A_280 : i32
        %add3A_282 = arith.constant 0 : i32
        %add3A_283 = arith.addi %add3A_282, %mul3A_281 : i32
        %add3A_284 = arith.addi %mul3A_60, %add3A_283 : i32
        %get3A_285 = arith.index_cast %add3A_283 : i32 to index
        %get3A_286 = arith.constant 0 : index
        %get3A_287 = tpu.vector_load %arg7[%get3A_285, %get3A_286] {strides = array<i32>} : memref<128x64xf32, #tpu.memory_space<vmem>>, vector<16xf32>,
        %swap3A_288 = arith.index_cast %add3A_284 : i32 to index
        %swap3A_289 = arith.constant 0 : index
        %swap3A_290 = tpu.vector_load %arg6[%swap3A_288, %swap3A_289] {strides = array<i32>} : memref<512x64xf32, #tpu.memory_space<vmem>>, vector<16xf32>,
        tpu.vector_store %arg6[%swap3A_288, %swap3A_289], %get3A_287 {add = true, strides = array<i32>} : memref<512x64xf32, #tpu.memory_space<vmem>>, vector<16xf32>,
        %get3A_291 = arith.index_cast %add3A_283 : i32 to index
        %get3A_292 = arith.constant 16 : index
        %get3A_293 = tpu.vector_load %arg7[%get3A_291, %get3A_292] {strides = array<i32>} : memref<128x64xf32, #tpu.memory_space<vmem>>, vector<16xf32>,
        %swap3A_294 = arith.index_cast %add3A_284 : i32 to index
        %swap3A_295 = arith.constant 16 : index
        %swap3A_296 = tpu.vector_load %arg6[%swap3A_294, %swap3A_295] {strides = array<i32>} : memref<512x64xf32, #tpu.memory_space<vmem>>, vector<16xf32>,
        tpu.vector_store %arg6[%swap3A_294, %swap3A_295], %get3A_293 {add = true, strides = array<i32>} : memref<512x64xf32, #tpu.memory_space<vmem>>, vector<16xf32>,
        %get3A_297 = arith.index_cast %add3A_283 : i32 to index
        %get3A_298 = arith.constant 32 : index
        %get3A_299 = tpu.vector_load %arg7[%get3A_297, %get3A_298] {strides = array<i32>} : memref<128x64xf32, #tpu.memory_space<vmem>>, vector<16xf32>,
        %swap3A_300 = arith.index_cast %add3A_284 : i32 to index
        %swap3A_301 = arith.constant 32 : index
        %swap3A_302 = tpu.vector_load %arg6[%swap3A_300, %swap3A_301] {strides = array<i32>} : memref<512x64xf32, #tpu.memory_space<vmem>>, vector<16xf32>,
        tpu.vector_store %arg6[%swap3A_300, %swap3A_301], %get3A_299 {add = true, strides = array<i32>} : memref<512x64xf32, #tpu.memory_space<vmem>>, vector<16xf32>,
        %get3A_303 = arith.index_cast %add3A_283 : i32 to index
        %get3A_304 = arith.constant 48 : index
        %get3A_305 = tpu.vector_load %arg7[%get3A_303, %get3A_304] {strides = array<i32>} : memref<128x64xf32, #tpu.memory_space<vmem>>, vector<16xf32>,
        %swap3A_306 = arith.index_cast %add3A_284 : i32 to index
        %swap3A_307 = arith.constant 48 : index
        %swap3A_308 = tpu.vector_load %arg6[%swap3A_306, %swap3A_307] {strides = array<i32>} : memref<512x64xf32, #tpu.memory_space<vmem>>, vector<16xf32>,
        tpu.vector_store %arg6[%swap3A_306, %swap3A_307], %get3A_305 {add = true, strides = array<i32>} : memref<512x64xf32, #tpu.memory_space<vmem>>, vector<16xf32>,
        %scan3A_309 = arith.constant 5 : i32
        %scan3A_310 = arith.addi %scan3A_157, %scan3A_309 : i32
        %mul3A_311 = arith.constant 1 : i32
        %mul3A_312 = arith.muli %scan3A_310, %mul3A_311 : i32
        %add3A_313 = arith.constant 0 : i32
        %add3A_314 = arith.addi %add3A_313, %mul3A_312 : i32
        %add3A_315 = arith.addi %mul3A_60, %add3A_314 : i32
        %get3A_316 = arith.index_cast %add3A_314 : i32 to index
        %get3A_317 = arith.constant 0 : index
        %get3A_318 = tpu.vector_load %arg7[%get3A_316, %get3A_317] {strides = array<i32>} : memref<128x64xf32, #tpu.memory_space<vmem>>, vector<16xf32>,
        %swap3A_319 = arith.index_cast %add3A_315 : i32 to index
        %swap3A_320 = arith.constant 0 : index
        %swap3A_321 = tpu.vector_load %arg6[%swap3A_319, %swap3A_320] {strides = array<i32>} : memref<512x64xf32, #tpu.memory_space<vmem>>, vector<16xf32>,
        tpu.vector_store %arg6[%swap3A_319, %swap3A_320], %get3A_318 {add = true, strides = array<i32>} : memref<512x64xf32, #tpu.memory_space<vmem>>, vector<16xf32>,
        %get3A_322 = arith.index_cast %add3A_314 : i32 to index
        %get3A_323 = arith.constant 16 : index
        %get3A_324 = tpu.vector_load %arg7[%get3A_322, %get3A_323] {strides = array<i32>} : memref<128x64xf32, #tpu.memory_space<vmem>>, vector<16xf32>,
        %swap3A_325 = arith.index_cast %add3A_315 : i32 to index
        %swap3A_326 = arith.constant 16 : index
        %swap3A_327 = tpu.vector_load %arg6[%swap3A_325, %swap3A_326] {strides = array<i32>} : memref<512x64xf32, #tpu.memory_space<vmem>>, vector<16xf32>,
        tpu.vector_store %arg6[%swap3A_325, %swap3A_326], %get3A_324 {add = true, strides = array<i32>} : memref<512x64xf32, #tpu.memory_space<vmem>>, vector<16xf32>,
        %get3A_328 = arith.index_cast %add3A_314 : i32 to index
        %get3A_329 = arith.constant 32 : index
        %get3A_330 = tpu.vector_load %arg7[%get3A_328, %get3A_329] {strides = array<i32>} : memref<128x64xf32, #tpu.memory_space<vmem>>, vector<16xf32>,
        %swap3A_331 = arith.index_cast %add3A_315 : i32 to index
        %swap3A_332 = arith.constant 32 : index
        %swap3A_333 = tpu.vector_load %arg6[%swap3A_331, %swap3A_332] {strides = array<i32>} : memref<512x64xf32, #tpu.memory_space<vmem>>, vector<16xf32>,
        tpu.vector_store %arg6[%swap3A_331, %swap3A_332], %get3A_330 {add = true, strides = array<i32>} : memref<512x64xf32, #tpu.memory_space<vmem>>, vector<16xf32>,
        %get3A_334 = arith.index_cast %add3A_314 : i32 to index
        %get3A_335 = arith.constant 48 : index
        %get3A_336 = tpu.vector_load %arg7[%get3A_334, %get3A_335] {strides = array<i32>} : memref<128x64xf32, #tpu.memory_space<vmem>>, vector<16xf32>,
        %swap3A_337 = arith.index_cast %add3A_315 : i32 to index
        %swap3A_338 = arith.constant 48 : index
        %swap3A_339 = tpu.vector_load %arg6[%swap3A_337, %swap3A_338] {strides = array<i32>} : memref<512x64xf32, #tpu.memory_space<vmem>>, vector<16xf32>,
        tpu.vector_store %arg6[%swap3A_337, %swap3A_338], %get3A_336 {add = true, strides = array<i32>} : memref<512x64xf32, #tpu.memory_space<vmem>>, vector<16xf32>,
        %scan3A_340 = arith.constant 6 : i32
        %scan3A_341 = arith.addi %scan3A_157, %scan3A_340 : i32
        %mul3A_342 = arith.constant 1 : i32
        %mul3A_343 = arith.muli %scan3A_341, %mul3A_342 : i32
        %add3A_344 = arith.constant 0 : i32
        %add3A_345 = arith.addi %add3A_344, %mul3A_343 : i32
        %add3A_346 = arith.addi %mul3A_60, %add3A_345 : i32
        %get3A_347 = arith.index_cast %add3A_345 : i32 to index
        %get3A_348 = arith.constant 0 : index
        %get3A_349 = tpu.vector_load %arg7[%get3A_347, %get3A_348] {strides = array<i32>} : memref<128x64xf32, #tpu.memory_space<vmem>>, vector<16xf32>,
        %swap3A_350 = arith.index_cast %add3A_346 : i32 to index
        %swap3A_351 = arith.constant 0 : index
        %swap3A_352 = tpu.vector_load %arg6[%swap3A_350, %swap3A_351] {strides = array<i32>} : memref<512x64xf32, #tpu.memory_space<vmem>>, vector<16xf32>,
        tpu.vector_store %arg6[%swap3A_350, %swap3A_351], %get3A_349 {add = true, strides = array<i32>} : memref<512x64xf32, #tpu.memory_space<vmem>>, vector<16xf32>,
        %get3A_353 = arith.index_cast %add3A_345 : i32 to index
        %get3A_354 = arith.constant 16 : index
        %get3A_355 = tpu.vector_load %arg7[%get3A_353, %get3A_354] {strides = array<i32>} : memref<128x64xf32, #tpu.memory_space<vmem>>, vector<16xf32>,
        %swap3A_356 = arith.index_cast %add3A_346 : i32 to index
        %swap3A_357 = arith.constant 16 : index
        %swap3A_358 = tpu.vector_load %arg6[%swap3A_356, %swap3A_357] {strides = array<i32>} : memref<512x64xf32, #tpu.memory_space<vmem>>, vector<16xf32>,
        tpu.vector_store %arg6[%swap3A_356, %swap3A_357], %get3A_355 {add = true, strides = array<i32>} : memref<512x64xf32, #tpu.memory_space<vmem>>, vector<16xf32>,
        %get3A_359 = arith.index_cast %add3A_345 : i32 to index
        %get3A_360 = arith.constant 32 : index
        %get3A_361 = tpu.vector_load %arg7[%get3A_359, %get3A_360] {strides = array<i32>} : memref<128x64xf32, #tpu.memory_space<vmem>>, vector<16xf32>,
        %swap3A_362 = arith.index_cast %add3A_346 : i32 to index
        %swap3A_363 = arith.constant 32 : index
        %swap3A_364 = tpu.vector_load %arg6[%swap3A_362, %swap3A_363] {strides = array<i32>} : memref<512x64xf32, #tpu.memory_space<vmem>>, vector<16xf32>,
        tpu.vector_store %arg6[%swap3A_362, %swap3A_363], %get3A_361 {add = true, strides = array<i32>} : memref<512x64xf32, #tpu.memory_space<vmem>>, vector<16xf32>,
        %get3A_365 = arith.index_cast %add3A_345 : i32 to index
        %get3A_366 = arith.constant 48 : index
        %get3A_367 = tpu.vector_load %arg7[%get3A_365, %get3A_366] {strides = array<i32>} : memref<128x64xf32, #tpu.memory_space<vmem>>, vector<16xf32>,
        %swap3A_368 = arith.index_cast %add3A_346 : i32 to index
        %swap3A_369 = arith.constant 48 : index
        %swap3A_370 = tpu.vector_load %arg6[%swap3A_368, %swap3A_369] {strides = array<i32>} : memref<512x64xf32, #tpu.memory_space<vmem>>, vector<16xf32>,
        tpu.vector_store %arg6[%swap3A_368, %swap3A_369], %get3A_367 {add = true, strides = array<i32>} : memref<512x64xf32, #tpu.memory_space<vmem>>, vector<16xf32>,
        %scan3A_371 = arith.constant 7 : i32
        %scan3A_372 = arith.addi %scan3A_157, %scan3A_371 : i32
        %mul3A_373 = arith.constant 1 : i32
        %mul3A_374 = arith.muli %scan3A_372, %mul3A_373 : i32
        %add3A_375 = arith.constant 0 : i32
        %add3A_376 = arith.addi %add3A_375, %mul3A_374 : i32
        %add3A_377 = arith.addi %mul3A_60, %add3A_376 : i32
        %get3A_378 = arith.index_cast %add3A_376 : i32 to index
        %get3A_379 = arith.constant 0 : index
        %get3A_380 = tpu.vector_load %arg7[%get3A_378, %get3A_379] {strides = array<i32>} : memref<128x64xf32, #tpu.memory_space<vmem>>, vector<16xf32>,
        %swap3A_381 = arith.index_cast %add3A_377 : i32 to index
        %swap3A_382 = arith.constant 0 : index
        %swap3A_383 = tpu.vector_load %arg6[%swap3A_381, %swap3A_382] {strides = array<i32>} : memref<512x64xf32, #tpu.memory_space<vmem>>, vector<16xf32>,
        tpu.vector_store %arg6[%swap3A_381, %swap3A_382], %get3A_380 {add = true, strides = array<i32>} : memref<512x64xf32, #tpu.memory_space<vmem>>, vector<16xf32>,
        %get3A_384 = arith.index_cast %add3A_376 : i32 to index
        %get3A_385 = arith.constant 16 : index
        %get3A_386 = tpu.vector_load %arg7[%get3A_384, %get3A_385] {strides = array<i32>} : memref<128x64xf32, #tpu.memory_space<vmem>>, vector<16xf32>,
        %swap3A_387 = arith.index_cast %add3A_377 : i32 to index
        %swap3A_388 = arith.constant 16 : index
        %swap3A_389 = tpu.vector_load %arg6[%swap3A_387, %swap3A_388] {strides = array<i32>} : memref<512x64xf32, #tpu.memory_space<vmem>>, vector<16xf32>,
        tpu.vector_store %arg6[%swap3A_387, %swap3A_388], %get3A_386 {add = true, strides = array<i32>} : memref<512x64xf32, #tpu.memory_space<vmem>>, vector<16xf32>,
        %get3A_390 = arith.index_cast %add3A_376 : i32 to index
        %get3A_391 = arith.constant 32 : index
        %get3A_392 = tpu.vector_load %arg7[%get3A_390, %get3A_391] {strides = array<i32>} : memref<128x64xf32, #tpu.memory_space<vmem>>, vector<16xf32>,
        %swap3A_393 = arith.index_cast %add3A_377 : i32 to index
        %swap3A_394 = arith.constant 32 : index
        %swap3A_395 = tpu.vector_load %arg6[%swap3A_393, %swap3A_394] {strides = array<i32>} : memref<512x64xf32, #tpu.memory_space<vmem>>, vector<16xf32>,
        tpu.vector_store %arg6[%swap3A_393, %swap3A_394], %get3A_392 {add = true, strides = array<i32>} : memref<512x64xf32, #tpu.memory_space<vmem>>, vector<16xf32>,
        %get3A_396 = arith.index_cast %add3A_376 : i32 to index
        %get3A_397 = arith.constant 48 : index
        %get3A_398 = tpu.vector_load %arg7[%get3A_396, %get3A_397] {strides = array<i32>} : memref<128x64xf32, #tpu.memory_space<vmem>>, vector<16xf32>,
        %swap3A_399 = arith.index_cast %add3A_377 : i32 to index
        %swap3A_400 = arith.constant 48 : index
        %swap3A_401 = tpu.vector_load %arg6[%swap3A_399, %swap3A_400] {strides = array<i32>} : memref<512x64xf32, #tpu.memory_space<vmem>>, vector<16xf32>,
        tpu.vector_store %arg6[%swap3A_399, %swap3A_400], %get3A_398 {add = true, strides = array<i32>} : memref<512x64xf32, #tpu.memory_space<vmem>>, vector<16xf32>,
      }
      %scan3A_65 = arith.constant 128 : i32
      %add3A_66 = arith.constant 4 : i32
      %add3A_67 = arith.addi %add3A_48, %add3A_66 : i32
      %lt3A = arith.constant 200 : i32
      %lt3A_68 = arith.cmpi slt, %add3A_67, %lt3A : i32
      %convert_element_type3A = arith.extui %lt3A_68 : i1 to i32
      %cond3A = arith.constant 0 : i32
      %cond3A_69 = arith.cmpi ne, %convert_element_type3A, %cond3A : i32
      scf.if %cond3A_69 {
        %shift_right_arithmetic3A_157 = arith.constant 2 : i32
        %shift_right_arithmetic3A_158 = arith.shrsi %add3A_67, %shift_right_arithmetic3A_157 : i32
        %and3A_159 = arith.constant 3 : i32
        %and3A_160 = arith.andi %add3A_67, %and3A_159 : i32
        %mul3A_161 = arith.constant 128 : i32
        %mul3A_162 = arith.muli %and3A_160, %mul3A_161 : i32
        %dma_start3A_163 = tpu.memref_slice %arg5[%shift_right_arithmetic3A_158, %mul3A_162] : memref<50x512xi32, #tpu.memory_space<vmem>> -> memref<1x128xi32, #tpu.memory_space<vmem>>
        %dma_start3A_164 = tpu.memref_squeeze %dma_start3A_163 : memref<1x128xi32, #tpu.memory_space<vmem>> -> memref<128xi32, #tpu.memory_space<vmem>>
        %dma_start3A_165 = arith.constant 0 : i32
        %dma_start3A_166 = arith.constant 0 : i32
        %dma_start3A_167 = tpu.memref_slice %arg3[%dma_start3A_165, %dma_start3A_166] : memref<1000000x64xf32, #tpu.memory_space<hbm>> -> memref<1000000x64xf32, #tpu.memory_space<hbm>>
        tpu.enqueue_indirect_dma source(%dma_start3A_167 : memref<1000000x64xf32, #tpu.memory_space<hbm>>) target(%arg7 : memref<128x64xf32, #tpu.memory_space<vmem>>) offsets(%dma_start3A_164 : memref<128xi32, #tpu.memory_space<vmem>>) semaphore(%arg11 : memref<!tpu.dma_semaphore, #tpu.memory_space<semaphore_mem>>)
      } else {
      }
      %add3A_70 = arith.constant 1 : i32
      %add3A_71 = arith.addi %add3A_46, %add3A_70 : i32
      %shift_right_arithmetic3A_72 = arith.constant 2 : i32
      %shift_right_arithmetic3A_73 = arith.shrsi %add3A_71, %shift_right_arithmetic3A_72 : i32
      %and3A_74 = arith.constant 3 : i32
      %and3A_75 = arith.andi %add3A_71, %and3A_74 : i32
      %mul3A_76 = arith.constant 128 : i32
      %mul3A_77 = arith.muli %and3A_75, %mul3A_76 : i32
      %dma_wait3A_78 = tpu.memref_slice %arg5[%shift_right_arithmetic3A_73, %mul3A_77] : memref<50x512xi32, #tpu.memory_space<vmem>> -> memref<1x128xi32, #tpu.memory_space<vmem>>
      %dma_wait3A_79 = tpu.memref_squeeze %dma_wait3A_78 : memref<1x128xi32, #tpu.memory_space<vmem>> -> memref<128xi32, #tpu.memory_space<vmem>>
      %dma_wait3A_80 = arith.constant 0 : i32
      %dma_wait3A_81 = arith.constant 0 : i32
      %dma_wait3A_82 = tpu.memref_slice %arg3[%dma_wait3A_80, %dma_wait3A_81] : memref<1000000x64xf32, #tpu.memory_space<hbm>> -> memref<1000000x64xf32, #tpu.memory_space<hbm>>
      tpu.wait_indirect_dma semaphore(%arg12 : memref<!tpu.dma_semaphore, #tpu.memory_space<semaphore_mem>>) src(%dma_wait3A_82 : memref<1000000x64xf32, #tpu.memory_space<hbm>>) dst(%arg8 : memref<128x64xf32, #tpu.memory_space<vmem>>)
      %and3A_83 = arith.constant 3 : i32
      %and3A_84 = arith.andi %add3A_71, %and3A_83 : i32
      %mul3A_85 = arith.constant 128 : i32
      %mul3A_86 = arith.muli %and3A_84, %mul3A_85 : i32
      %scan3A_87 = arith.constant 0 : i32
      %scan3A_88 = arith.constant 128 : i32
      %scan3A_89 = arith.addi %scan3A_87, %scan3A_88 : i32
      %scan3A_90 = arith.constant 8 : i32
      scf.for %scan3A_157 = %scan3A_87 to %scan3A_89 step %scan3A_90  : i32 {
        %mul3A_158 = arith.constant 1 : i32
        %mul3A_159 = arith.muli %scan3A_157, %mul3A_158 : i32
        %add3A_160 = arith.constant 0 : i32
        %add3A_161 = arith.addi %add3A_160, %mul3A_159 : i32
        %add3A_162 = arith.addi %mul3A_86, %add3A_161 : i32
        %get3A = arith.index_cast %add3A_161 : i32 to index
        %get3A_163 = arith.constant 0 : index
        %get3A_164 = tpu.vector_load %arg8[%get3A, %get3A_163] {strides = array<i32>} : memref<128x64xf32, #tpu.memory_space<vmem>>, vector<16xf32>,
        %swap3A = arith.index_cast %add3A_162 : i32 to index
        %swap3A_165 = arith.constant 0 : index
        %swap3A_166 = tpu.vector_load %arg6[%swap3A, %swap3A_165] {strides = array<i32>} : memref<512x64xf32, #tpu.memory_space<vmem>>, vector<16xf32>,
        tpu.vector_store %arg6[%swap3A, %swap3A_165], %get3A_164 {add = true, strides = array<i32>} : memref<512x64xf32, #tpu.memory_space<vmem>>, vector<16xf32>,
        %get3A_167 = arith.index_cast %add3A_161 : i32 to index
        %get3A_168 = arith.constant 16 : index
        %get3A_169 = tpu.vector_load %arg8[%get3A_167, %get3A_168] {strides = array<i32>} : memref<128x64xf32, #tpu.memory_space<vmem>>, vector<16xf32>,
        %swap3A_170 = arith.index_cast %add3A_162 : i32 to index
        %swap3A_171 = arith.constant 16 : index
        %swap3A_172 = tpu.vector_load %arg6[%swap3A_170, %swap3A_171] {strides = array<i32>} : memref<512x64xf32, #tpu.memory_space<vmem>>, vector<16xf32>,
        tpu.vector_store %arg6[%swap3A_170, %swap3A_171], %get3A_169 {add = true, strides = array<i32>} : memref<512x64xf32, #tpu.memory_space<vmem>>, vector<16xf32>,
        %get3A_173 = arith.index_cast %add3A_161 : i32 to index
        %get3A_174 = arith.constant 32 : index
        %get3A_175 = tpu.vector_load %arg8[%get3A_173, %get3A_174] {strides = array<i32>} : memref<128x64xf32, #tpu.memory_space<vmem>>, vector<16xf32>,
        %swap3A_176 = arith.index_cast %add3A_162 : i32 to index
        %swap3A_177 = arith.constant 32 : index
        %swap3A_178 = tpu.vector_load %arg6[%swap3A_176, %swap3A_177] {strides = array<i32>} : memref<512x64xf32, #tpu.memory_space<vmem>>, vector<16xf32>,
        tpu.vector_store %arg6[%swap3A_176, %swap3A_177], %get3A_175 {add = true, strides = array<i32>} : memref<512x64xf32, #tpu.memory_space<vmem>>, vector<16xf32>,
        %get3A_179 = arith.index_cast %add3A_161 : i32 to index
        %get3A_180 = arith.constant 48 : index
        %get3A_181 = tpu.vector_load %arg8[%get3A_179, %get3A_180] {strides = array<i32>} : memref<128x64xf32, #tpu.memory_space<vmem>>, vector<16xf32>,
        %swap3A_182 = arith.index_cast %add3A_162 : i32 to index
        %swap3A_183 = arith.constant 48 : index
        %swap3A_184 = tpu.vector_load %arg6[%swap3A_182, %swap3A_183] {strides = array<i32>} : memref<512x64xf32, #tpu.memory_space<vmem>>, vector<16xf32>,
        tpu.vector_store %arg6[%swap3A_182, %swap3A_183], %get3A_181 {add = true, strides = array<i32>} : memref<512x64xf32, #tpu.memory_space<vmem>>, vector<16xf32>,
        %scan3A_185 = arith.constant 1 : i32
        %scan3A_186 = arith.addi %scan3A_157, %scan3A_185 : i32
        %mul3A_187 = arith.constant 1 : i32
        %mul3A_188 = arith.muli %scan3A_186, %mul3A_187 : i32
        %add3A_189 = arith.constant 0 : i32
        %add3A_190 = arith.addi %add3A_189, %mul3A_188 : i32
        %add3A_191 = arith.addi %mul3A_86, %add3A_190 : i32
        %get3A_192 = arith.index_cast %add3A_190 : i32 to index
        %get3A_193 = arith.constant 0 : index
        %get3A_194 = tpu.vector_load %arg8[%get3A_192, %get3A_193] {strides = array<i32>} : memref<128x64xf32, #tpu.memory_space<vmem>>, vector<16xf32>,
        %swap3A_195 = arith.index_cast %add3A_191 : i32 to index
        %swap3A_196 = arith.constant 0 : index
        %swap3A_197 = tpu.vector_load %arg6[%swap3A_195, %swap3A_196] {strides = array<i32>} : memref<512x64xf32, #tpu.memory_space<vmem>>, vector<16xf32>,
        tpu.vector_store %arg6[%swap3A_195, %swap3A_196], %get3A_194 {add = true, strides = array<i32>} : memref<512x64xf32, #tpu.memory_space<vmem>>, vector<16xf32>,
        %get3A_198 = arith.index_cast %add3A_190 : i32 to index
        %get3A_199 = arith.constant 16 : index
        %get3A_200 = tpu.vector_load %arg8[%get3A_198, %get3A_199] {strides = array<i32>} : memref<128x64xf32, #tpu.memory_space<vmem>>, vector<16xf32>,
        %swap3A_201 = arith.index_cast %add3A_191 : i32 to index
        %swap3A_202 = arith.constant 16 : index
        %swap3A_203 = tpu.vector_load %arg6[%swap3A_201, %swap3A_202] {strides = array<i32>} : memref<512x64xf32, #tpu.memory_space<vmem>>, vector<16xf32>,
        tpu.vector_store %arg6[%swap3A_201, %swap3A_202], %get3A_200 {add = true, strides = array<i32>} : memref<512x64xf32, #tpu.memory_space<vmem>>, vector<16xf32>,
        %get3A_204 = arith.index_cast %add3A_190 : i32 to index
        %get3A_205 = arith.constant 32 : index
        %get3A_206 = tpu.vector_load %arg8[%get3A_204, %get3A_205] {strides = array<i32>} : memref<128x64xf32, #tpu.memory_space<vmem>>, vector<16xf32>,
        %swap3A_207 = arith.index_cast %add3A_191 : i32 to index
        %swap3A_208 = arith.constant 32 : index
        %swap3A_209 = tpu.vector_load %arg6[%swap3A_207, %swap3A_208] {strides = array<i32>} : memref<512x64xf32, #tpu.memory_space<vmem>>, vector<16xf32>,
        tpu.vector_store %arg6[%swap3A_207, %swap3A_208], %get3A_206 {add = true, strides = array<i32>} : memref<512x64xf32, #tpu.memory_space<vmem>>, vector<16xf32>,
        %get3A_210 = arith.index_cast %add3A_190 : i32 to index
        %get3A_211 = arith.constant 48 : index
        %get3A_212 = tpu.vector_load %arg8[%get3A_210, %get3A_211] {strides = array<i32>} : memref<128x64xf32, #tpu.memory_space<vmem>>, vector<16xf32>,
        %swap3A_213 = arith.index_cast %add3A_191 : i32 to index
        %swap3A_214 = arith.constant 48 : index
        %swap3A_215 = tpu.vector_load %arg6[%swap3A_213, %swap3A_214] {strides = array<i32>} : memref<512x64xf32, #tpu.memory_space<vmem>>, vector<16xf32>,
        tpu.vector_store %arg6[%swap3A_213, %swap3A_214], %get3A_212 {add = true, strides = array<i32>} : memref<512x64xf32, #tpu.memory_space<vmem>>, vector<16xf32>,
        %scan3A_216 = arith.constant 2 : i32
        %scan3A_217 = arith.addi %scan3A_157, %scan3A_216 : i32
        %mul3A_218 = arith.constant 1 : i32
        %mul3A_219 = arith.muli %scan3A_217, %mul3A_218 : i32
        %add3A_220 = arith.constant 0 : i32
        %add3A_221 = arith.addi %add3A_220, %mul3A_219 : i32
        %add3A_222 = arith.addi %mul3A_86, %add3A_221 : i32
        %get3A_223 = arith.index_cast %add3A_221 : i32 to index
        %get3A_224 = arith.constant 0 : index
        %get3A_225 = tpu.vector_load %arg8[%get3A_223, %get3A_224] {strides = array<i32>} : memref<128x64xf32, #tpu.memory_space<vmem>>, vector<16xf32>,
        %swap3A_226 = arith.index_cast %add3A_222 : i32 to index
        %swap3A_227 = arith.constant 0 : index
        %swap3A_228 = tpu.vector_load %arg6[%swap3A_226, %swap3A_227] {strides = array<i32>} : memref<512x64xf32, #tpu.memory_space<vmem>>, vector<16xf32>,
        tpu.vector_store %arg6[%swap3A_226, %swap3A_227], %get3A_225 {add = true, strides = array<i32>} : memref<512x64xf32, #tpu.memory_space<vmem>>, vector<16xf32>,
        %get3A_229 = arith.index_cast %add3A_221 : i32 to index
        %get3A_230 = arith.constant 16 : index
        %get3A_231 = tpu.vector_load %arg8[%get3A_229, %get3A_230] {strides = array<i32>} : memref<128x64xf32, #tpu.memory_space<vmem>>, vector<16xf32>,
        %swap3A_232 = arith.index_cast %add3A_222 : i32 to index
        %swap3A_233 = arith.constant 16 : index
        %swap3A_234 = tpu.vector_load %arg6[%swap3A_232, %swap3A_233] {strides = array<i32>} : memref<512x64xf32, #tpu.memory_space<vmem>>, vector<16xf32>,
        tpu.vector_store %arg6[%swap3A_232, %swap3A_233], %get3A_231 {add = true, strides = array<i32>} : memref<512x64xf32, #tpu.memory_space<vmem>>, vector<16xf32>,
        %get3A_235 = arith.index_cast %add3A_221 : i32 to index
        %get3A_236 = arith.constant 32 : index
        %get3A_237 = tpu.vector_load %arg8[%get3A_235, %get3A_236] {strides = array<i32>} : memref<128x64xf32, #tpu.memory_space<vmem>>, vector<16xf32>,
        %swap3A_238 = arith.index_cast %add3A_222 : i32 to index
        %swap3A_239 = arith.constant 32 : index
        %swap3A_240 = tpu.vector_load %arg6[%swap3A_238, %swap3A_239] {strides = array<i32>} : memref<512x64xf32, #tpu.memory_space<vmem>>, vector<16xf32>,
        tpu.vector_store %arg6[%swap3A_238, %swap3A_239], %get3A_237 {add = true, strides = array<i32>} : memref<512x64xf32, #tpu.memory_space<vmem>>, vector<16xf32>,
        %get3A_241 = arith.index_cast %add3A_221 : i32 to index
        %get3A_242 = arith.constant 48 : index
        %get3A_243 = tpu.vector_load %arg8[%get3A_241, %get3A_242] {strides = array<i32>} : memref<128x64xf32, #tpu.memory_space<vmem>>, vector<16xf32>,
        %swap3A_244 = arith.index_cast %add3A_222 : i32 to index
        %swap3A_245 = arith.constant 48 : index
        %swap3A_246 = tpu.vector_load %arg6[%swap3A_244, %swap3A_245] {strides = array<i32>} : memref<512x64xf32, #tpu.memory_space<vmem>>, vector<16xf32>,
        tpu.vector_store %arg6[%swap3A_244, %swap3A_245], %get3A_243 {add = true, strides = array<i32>} : memref<512x64xf32, #tpu.memory_space<vmem>>, vector<16xf32>,
        %scan3A_247 = arith.constant 3 : i32
        %scan3A_248 = arith.addi %scan3A_157, %scan3A_247 : i32
        %mul3A_249 = arith.constant 1 : i32
        %mul3A_250 = arith.muli %scan3A_248, %mul3A_249 : i32
        %add3A_251 = arith.constant 0 : i32
        %add3A_252 = arith.addi %add3A_251, %mul3A_250 : i32
        %add3A_253 = arith.addi %mul3A_86, %add3A_252 : i32
        %get3A_254 = arith.index_cast %add3A_252 : i32 to index
        %get3A_255 = arith.constant 0 : index
        %get3A_256 = tpu.vector_load %arg8[%get3A_254, %get3A_255] {strides = array<i32>} : memref<128x64xf32, #tpu.memory_space<vmem>>, vector<16xf32>,
        %swap3A_257 = arith.index_cast %add3A_253 : i32 to index
        %swap3A_258 = arith.constant 0 : index
        %swap3A_259 = tpu.vector_load %arg6[%swap3A_257, %swap3A_258] {strides = array<i32>} : memref<512x64xf32, #tpu.memory_space<vmem>>, vector<16xf32>,
        tpu.vector_store %arg6[%swap3A_257, %swap3A_258], %get3A_256 {add = true, strides = array<i32>} : memref<512x64xf32, #tpu.memory_space<vmem>>, vector<16xf32>,
        %get3A_260 = arith.index_cast %add3A_252 : i32 to index
        %get3A_261 = arith.constant 16 : index
        %get3A_262 = tpu.vector_load %arg8[%get3A_260, %get3A_261] {strides = array<i32>} : memref<128x64xf32, #tpu.memory_space<vmem>>, vector<16xf32>,
        %swap3A_263 = arith.index_cast %add3A_253 : i32 to index
        %swap3A_264 = arith.constant 16 : index
        %swap3A_265 = tpu.vector_load %arg6[%swap3A_263, %swap3A_264] {strides = array<i32>} : memref<512x64xf32, #tpu.memory_space<vmem>>, vector<16xf32>,
        tpu.vector_store %arg6[%swap3A_263, %swap3A_264], %get3A_262 {add = true, strides = array<i32>} : memref<512x64xf32, #tpu.memory_space<vmem>>, vector<16xf32>,
        %get3A_266 = arith.index_cast %add3A_252 : i32 to index
        %get3A_267 = arith.constant 32 : index
        %get3A_268 = tpu.vector_load %arg8[%get3A_266, %get3A_267] {strides = array<i32>} : memref<128x64xf32, #tpu.memory_space<vmem>>, vector<16xf32>,
        %swap3A_269 = arith.index_cast %add3A_253 : i32 to index
        %swap3A_270 = arith.constant 32 : index
        %swap3A_271 = tpu.vector_load %arg6[%swap3A_269, %swap3A_270] {strides = array<i32>} : memref<512x64xf32, #tpu.memory_space<vmem>>, vector<16xf32>,
        tpu.vector_store %arg6[%swap3A_269, %swap3A_270], %get3A_268 {add = true, strides = array<i32>} : memref<512x64xf32, #tpu.memory_space<vmem>>, vector<16xf32>,
        %get3A_272 = arith.index_cast %add3A_252 : i32 to index
        %get3A_273 = arith.constant 48 : index
        %get3A_274 = tpu.vector_load %arg8[%get3A_272, %get3A_273] {strides = array<i32>} : memref<128x64xf32, #tpu.memory_space<vmem>>, vector<16xf32>,
        %swap3A_275 = arith.index_cast %add3A_253 : i32 to index
        %swap3A_276 = arith.constant 48 : index
        %swap3A_277 = tpu.vector_load %arg6[%swap3A_275, %swap3A_276] {strides = array<i32>} : memref<512x64xf32, #tpu.memory_space<vmem>>, vector<16xf32>,
        tpu.vector_store %arg6[%swap3A_275, %swap3A_276], %get3A_274 {add = true, strides = array<i32>} : memref<512x64xf32, #tpu.memory_space<vmem>>, vector<16xf32>,
        %scan3A_278 = arith.constant 4 : i32
        %scan3A_279 = arith.addi %scan3A_157, %scan3A_278 : i32
        %mul3A_280 = arith.constant 1 : i32
        %mul3A_281 = arith.muli %scan3A_279, %mul3A_280 : i32
        %add3A_282 = arith.constant 0 : i32
        %add3A_283 = arith.addi %add3A_282, %mul3A_281 : i32
        %add3A_284 = arith.addi %mul3A_86, %add3A_283 : i32
        %get3A_285 = arith.index_cast %add3A_283 : i32 to index
        %get3A_286 = arith.constant 0 : index
        %get3A_287 = tpu.vector_load %arg8[%get3A_285, %get3A_286] {strides = array<i32>} : memref<128x64xf32, #tpu.memory_space<vmem>>, vector<16xf32>,
        %swap3A_288 = arith.index_cast %add3A_284 : i32 to index
        %swap3A_289 = arith.constant 0 : index
        %swap3A_290 = tpu.vector_load %arg6[%swap3A_288, %swap3A_289] {strides = array<i32>} : memref<512x64xf32, #tpu.memory_space<vmem>>, vector<16xf32>,
        tpu.vector_store %arg6[%swap3A_288, %swap3A_289], %get3A_287 {add = true, strides = array<i32>} : memref<512x64xf32, #tpu.memory_space<vmem>>, vector<16xf32>,
        %get3A_291 = arith.index_cast %add3A_283 : i32 to index
        %get3A_292 = arith.constant 16 : index
        %get3A_293 = tpu.vector_load %arg8[%get3A_291, %get3A_292] {strides = array<i32>} : memref<128x64xf32, #tpu.memory_space<vmem>>, vector<16xf32>,
        %swap3A_294 = arith.index_cast %add3A_284 : i32 to index
        %swap3A_295 = arith.constant 16 : index
        %swap3A_296 = tpu.vector_load %arg6[%swap3A_294, %swap3A_295] {strides = array<i32>} : memref<512x64xf32, #tpu.memory_space<vmem>>, vector<16xf32>,
        tpu.vector_store %arg6[%swap3A_294, %swap3A_295], %get3A_293 {add = true, strides = array<i32>} : memref<512x64xf32, #tpu.memory_space<vmem>>, vector<16xf32>,
        %get3A_297 = arith.index_cast %add3A_283 : i32 to index
        %get3A_298 = arith.constant 32 : index
        %get3A_299 = tpu.vector_load %arg8[%get3A_297, %get3A_298] {strides = array<i32>} : memref<128x64xf32, #tpu.memory_space<vmem>>, vector<16xf32>,
        %swap3A_300 = arith.index_cast %add3A_284 : i32 to index
        %swap3A_301 = arith.constant 32 : index
        %swap3A_302 = tpu.vector_load %arg6[%swap3A_300, %swap3A_301] {strides = array<i32>} : memref<512x64xf32, #tpu.memory_space<vmem>>, vector<16xf32>,
        tpu.vector_store %arg6[%swap3A_300, %swap3A_301], %get3A_299 {add = true, strides = array<i32>} : memref<512x64xf32, #tpu.memory_space<vmem>>, vector<16xf32>,
        %get3A_303 = arith.index_cast %add3A_283 : i32 to index
        %get3A_304 = arith.constant 48 : index
        %get3A_305 = tpu.vector_load %arg8[%get3A_303, %get3A_304] {strides = array<i32>} : memref<128x64xf32, #tpu.memory_space<vmem>>, vector<16xf32>,
        %swap3A_306 = arith.index_cast %add3A_284 : i32 to index
        %swap3A_307 = arith.constant 48 : index
        %swap3A_308 = tpu.vector_load %arg6[%swap3A_306, %swap3A_307] {strides = array<i32>} : memref<512x64xf32, #tpu.memory_space<vmem>>, vector<16xf32>,
        tpu.vector_store %arg6[%swap3A_306, %swap3A_307], %get3A_305 {add = true, strides = array<i32>} : memref<512x64xf32, #tpu.memory_space<vmem>>, vector<16xf32>,
        %scan3A_309 = arith.constant 5 : i32
        %scan3A_310 = arith.addi %scan3A_157, %scan3A_309 : i32
        %mul3A_311 = arith.constant 1 : i32
        %mul3A_312 = arith.muli %scan3A_310, %mul3A_311 : i32
        %add3A_313 = arith.constant 0 : i32
        %add3A_314 = arith.addi %add3A_313, %mul3A_312 : i32
        %add3A_315 = arith.addi %mul3A_86, %add3A_314 : i32
        %get3A_316 = arith.index_cast %add3A_314 : i32 to index
        %get3A_317 = arith.constant 0 : index
        %get3A_318 = tpu.vector_load %arg8[%get3A_316, %get3A_317] {strides = array<i32>} : memref<128x64xf32, #tpu.memory_space<vmem>>, vector<16xf32>,
        %swap3A_319 = arith.index_cast %add3A_315 : i32 to index
        %swap3A_320 = arith.constant 0 : index
        %swap3A_321 = tpu.vector_load %arg6[%swap3A_319, %swap3A_320] {strides = array<i32>} : memref<512x64xf32, #tpu.memory_space<vmem>>, vector<16xf32>,
        tpu.vector_store %arg6[%swap3A_319, %swap3A_320], %get3A_318 {add = true, strides = array<i32>} : memref<512x64xf32, #tpu.memory_space<vmem>>, vector<16xf32>,
        %get3A_322 = arith.index_cast %add3A_314 : i32 to index
        %get3A_323 = arith.constant 16 : index
        %get3A_324 = tpu.vector_load %arg8[%get3A_322, %get3A_323] {strides = array<i32>} : memref<128x64xf32, #tpu.memory_space<vmem>>, vector<16xf32>,
        %swap3A_325 = arith.index_cast %add3A_315 : i32 to index
        %swap3A_326 = arith.constant 16 : index
        %swap3A_327 = tpu.vector_load %arg6[%swap3A_325, %swap3A_326] {strides = array<i32>} : memref<512x64xf32, #tpu.memory_space<vmem>>, vector<16xf32>,
        tpu.vector_store %arg6[%swap3A_325, %swap3A_326], %get3A_324 {add = true, strides = array<i32>} : memref<512x64xf32, #tpu.memory_space<vmem>>, vector<16xf32>,
        %get3A_328 = arith.index_cast %add3A_314 : i32 to index
        %get3A_329 = arith.constant 32 : index
        %get3A_330 = tpu.vector_load %arg8[%get3A_328, %get3A_329] {strides = array<i32>} : memref<128x64xf32, #tpu.memory_space<vmem>>, vector<16xf32>,
        %swap3A_331 = arith.index_cast %add3A_315 : i32 to index
        %swap3A_332 = arith.constant 32 : index
        %swap3A_333 = tpu.vector_load %arg6[%swap3A_331, %swap3A_332] {strides = array<i32>} : memref<512x64xf32, #tpu.memory_space<vmem>>, vector<16xf32>,
        tpu.vector_store %arg6[%swap3A_331, %swap3A_332], %get3A_330 {add = true, strides = array<i32>} : memref<512x64xf32, #tpu.memory_space<vmem>>, vector<16xf32>,
        %get3A_334 = arith.index_cast %add3A_314 : i32 to index
        %get3A_335 = arith.constant 48 : index
        %get3A_336 = tpu.vector_load %arg8[%get3A_334, %get3A_335] {strides = array<i32>} : memref<128x64xf32, #tpu.memory_space<vmem>>, vector<16xf32>,
        %swap3A_337 = arith.index_cast %add3A_315 : i32 to index
        %swap3A_338 = arith.constant 48 : index
        %swap3A_339 = tpu.vector_load %arg6[%swap3A_337, %swap3A_338] {strides = array<i32>} : memref<512x64xf32, #tpu.memory_space<vmem>>, vector<16xf32>,
        tpu.vector_store %arg6[%swap3A_337, %swap3A_338], %get3A_336 {add = true, strides = array<i32>} : memref<512x64xf32, #tpu.memory_space<vmem>>, vector<16xf32>,
        %scan3A_340 = arith.constant 6 : i32
        %scan3A_341 = arith.addi %scan3A_157, %scan3A_340 : i32
        %mul3A_342 = arith.constant 1 : i32
        %mul3A_343 = arith.muli %scan3A_341, %mul3A_342 : i32
        %add3A_344 = arith.constant 0 : i32
        %add3A_345 = arith.addi %add3A_344, %mul3A_343 : i32
        %add3A_346 = arith.addi %mul3A_86, %add3A_345 : i32
        %get3A_347 = arith.index_cast %add3A_345 : i32 to index
        %get3A_348 = arith.constant 0 : index
        %get3A_349 = tpu.vector_load %arg8[%get3A_347, %get3A_348] {strides = array<i32>} : memref<128x64xf32, #tpu.memory_space<vmem>>, vector<16xf32>,
        %swap3A_350 = arith.index_cast %add3A_346 : i32 to index
        %swap3A_351 = arith.constant 0 : index
        %swap3A_352 = tpu.vector_load %arg6[%swap3A_350, %swap3A_351] {strides = array<i32>} : memref<512x64xf32, #tpu.memory_space<vmem>>, vector<16xf32>,
        tpu.vector_store %arg6[%swap3A_350, %swap3A_351], %get3A_349 {add = true, strides = array<i32>} : memref<512x64xf32, #tpu.memory_space<vmem>>, vector<16xf32>,
        %get3A_353 = arith.index_cast %add3A_345 : i32 to index
        %get3A_354 = arith.constant 16 : index
        %get3A_355 = tpu.vector_load %arg8[%get3A_353, %get3A_354] {strides = array<i32>} : memref<128x64xf32, #tpu.memory_space<vmem>>, vector<16xf32>,
        %swap3A_356 = arith.index_cast %add3A_346 : i32 to index
        %swap3A_357 = arith.constant 16 : index
        %swap3A_358 = tpu.vector_load %arg6[%swap3A_356, %swap3A_357] {strides = array<i32>} : memref<512x64xf32, #tpu.memory_space<vmem>>, vector<16xf32>,
        tpu.vector_store %arg6[%swap3A_356, %swap3A_357], %get3A_355 {add = true, strides = array<i32>} : memref<512x64xf32, #tpu.memory_space<vmem>>, vector<16xf32>,
        %get3A_359 = arith.index_cast %add3A_345 : i32 to index
        %get3A_360 = arith.constant 32 : index
        %get3A_361 = tpu.vector_load %arg8[%get3A_359, %get3A_360] {strides = array<i32>} : memref<128x64xf32, #tpu.memory_space<vmem>>, vector<16xf32>,
        %swap3A_362 = arith.index_cast %add3A_346 : i32 to index
        %swap3A_363 = arith.constant 32 : index
        %swap3A_364 = tpu.vector_load %arg6[%swap3A_362, %swap3A_363] {strides = array<i32>} : memref<512x64xf32, #tpu.memory_space<vmem>>, vector<16xf32>,
        tpu.vector_store %arg6[%swap3A_362, %swap3A_363], %get3A_361 {add = true, strides = array<i32>} : memref<512x64xf32, #tpu.memory_space<vmem>>, vector<16xf32>,
        %get3A_365 = arith.index_cast %add3A_345 : i32 to index
        %get3A_366 = arith.constant 48 : index
        %get3A_367 = tpu.vector_load %arg8[%get3A_365, %get3A_366] {strides = array<i32>} : memref<128x64xf32, #tpu.memory_space<vmem>>, vector<16xf32>,
        %swap3A_368 = arith.index_cast %add3A_346 : i32 to index
        %swap3A_369 = arith.constant 48 : index
        %swap3A_370 = tpu.vector_load %arg6[%swap3A_368, %swap3A_369] {strides = array<i32>} : memref<512x64xf32, #tpu.memory_space<vmem>>, vector<16xf32>,
        tpu.vector_store %arg6[%swap3A_368, %swap3A_369], %get3A_367 {add = true, strides = array<i32>} : memref<512x64xf32, #tpu.memory_space<vmem>>, vector<16xf32>,
        %scan3A_371 = arith.constant 7 : i32
        %scan3A_372 = arith.addi %scan3A_157, %scan3A_371 : i32
        %mul3A_373 = arith.constant 1 : i32
        %mul3A_374 = arith.muli %scan3A_372, %mul3A_373 : i32
        %add3A_375 = arith.constant 0 : i32
        %add3A_376 = arith.addi %add3A_375, %mul3A_374 : i32
        %add3A_377 = arith.addi %mul3A_86, %add3A_376 : i32
        %get3A_378 = arith.index_cast %add3A_376 : i32 to index
        %get3A_379 = arith.constant 0 : index
        %get3A_380 = tpu.vector_load %arg8[%get3A_378, %get3A_379] {strides = array<i32>} : memref<128x64xf32, #tpu.memory_space<vmem>>, vector<16xf32>,
        %swap3A_381 = arith.index_cast %add3A_377 : i32 to index
        %swap3A_382 = arith.constant 0 : index
        %swap3A_383 = tpu.vector_load %arg6[%swap3A_381, %swap3A_382] {strides = array<i32>} : memref<512x64xf32, #tpu.memory_space<vmem>>, vector<16xf32>,
        tpu.vector_store %arg6[%swap3A_381, %swap3A_382], %get3A_380 {add = true, strides = array<i32>} : memref<512x64xf32, #tpu.memory_space<vmem>>, vector<16xf32>,
        %get3A_384 = arith.index_cast %add3A_376 : i32 to index
        %get3A_385 = arith.constant 16 : index
        %get3A_386 = tpu.vector_load %arg8[%get3A_384, %get3A_385] {strides = array<i32>} : memref<128x64xf32, #tpu.memory_space<vmem>>, vector<16xf32>,
        %swap3A_387 = arith.index_cast %add3A_377 : i32 to index
        %swap3A_388 = arith.constant 16 : index
        %swap3A_389 = tpu.vector_load %arg6[%swap3A_387, %swap3A_388] {strides = array<i32>} : memref<512x64xf32, #tpu.memory_space<vmem>>, vector<16xf32>,
        tpu.vector_store %arg6[%swap3A_387, %swap3A_388], %get3A_386 {add = true, strides = array<i32>} : memref<512x64xf32, #tpu.memory_space<vmem>>, vector<16xf32>,
        %get3A_390 = arith.index_cast %add3A_376 : i32 to index
        %get3A_391 = arith.constant 32 : index
        %get3A_392 = tpu.vector_load %arg8[%get3A_390, %get3A_391] {strides = array<i32>} : memref<128x64xf32, #tpu.memory_space<vmem>>, vector<16xf32>,
        %swap3A_393 = arith.index_cast %add3A_377 : i32 to index
        %swap3A_394 = arith.constant 32 : index
        %swap3A_395 = tpu.vector_load %arg6[%swap3A_393, %swap3A_394] {strides = array<i32>} : memref<512x64xf32, #tpu.memory_space<vmem>>, vector<16xf32>,
        tpu.vector_store %arg6[%swap3A_393, %swap3A_394], %get3A_392 {add = true, strides = array<i32>} : memref<512x64xf32, #tpu.memory_space<vmem>>, vector<16xf32>,
        %get3A_396 = arith.index_cast %add3A_376 : i32 to index
        %get3A_397 = arith.constant 48 : index
        %get3A_398 = tpu.vector_load %arg8[%get3A_396, %get3A_397] {strides = array<i32>} : memref<128x64xf32, #tpu.memory_space<vmem>>, vector<16xf32>,
        %swap3A_399 = arith.index_cast %add3A_377 : i32 to index
        %swap3A_400 = arith.constant 48 : index
        %swap3A_401 = tpu.vector_load %arg6[%swap3A_399, %swap3A_400] {strides = array<i32>} : memref<512x64xf32, #tpu.memory_space<vmem>>, vector<16xf32>,
        tpu.vector_store %arg6[%swap3A_399, %swap3A_400], %get3A_398 {add = true, strides = array<i32>} : memref<512x64xf32, #tpu.memory_space<vmem>>, vector<16xf32>,
      }
      %scan3A_91 = arith.constant 128 : i32
      %add3A_92 = arith.constant 4 : i32
      %add3A_93 = arith.addi %add3A_71, %add3A_92 : i32
      %lt3A_94 = arith.constant 200 : i32
      %lt3A_95 = arith.cmpi slt, %add3A_93, %lt3A_94 : i32
      %convert_element_type3A_96 = arith.extui %lt3A_95 : i1 to i32
      %cond3A_97 = arith.constant 0 : i32
      %cond3A_98 = arith.cmpi ne, %convert_element_type3A_96, %cond3A_97 : i32
      scf.if %cond3A_98 {
        %shift_right_arithmetic3A_157 = arith.constant 2 : i32
        %shift_right_arithmetic3A_158 = arith.shrsi %add3A_93, %shift_right_arithmetic3A_157 : i32
        %and3A_159 = arith.constant 3 : i32
        %and3A_160 = arith.andi %add3A_93, %and3A_159 : i32
        %mul3A_161 = arith.constant 128 : i32
        %mul3A_162 = arith.muli %and3A_160, %mul3A_161 : i32
        %dma_start3A_163 = tpu.memref_slice %arg5[%shift_right_arithmetic3A_158, %mul3A_162] : memref<50x512xi32, #tpu.memory_space<vmem>> -> memref<1x128xi32, #tpu.memory_space<vmem>>
        %dma_start3A_164 = tpu.memref_squeeze %dma_start3A_163 : memref<1x128xi32, #tpu.memory_space<vmem>> -> memref<128xi32, #tpu.memory_space<vmem>>
        %dma_start3A_165 = arith.constant 0 : i32
        %dma_start3A_166 = arith.constant 0 : i32
        %dma_start3A_167 = tpu.memref_slice %arg3[%dma_start3A_165, %dma_start3A_166] : memref<1000000x64xf32, #tpu.memory_space<hbm>> -> memref<1000000x64xf32, #tpu.memory_space<hbm>>
        tpu.enqueue_indirect_dma source(%dma_start3A_167 : memref<1000000x64xf32, #tpu.memory_space<hbm>>) target(%arg8 : memref<128x64xf32, #tpu.memory_space<vmem>>) offsets(%dma_start3A_164 : memref<128xi32, #tpu.memory_space<vmem>>) semaphore(%arg12 : memref<!tpu.dma_semaphore, #tpu.memory_space<semaphore_mem>>)
      } else {
      }
      %add3A_99 = arith.constant 2 : i32
      %add3A_100 = arith.addi %add3A_46, %add3A_99 : i32
      %shift_right_arithmetic3A_101 = arith.constant 2 : i32
      %shift_right_arithmetic3A_102 = arith.shrsi %add3A_100, %shift_right_arithmetic3A_101 : i32
      %and3A_103 = arith.constant 3 : i32
      %and3A_104 = arith.andi %add3A_100, %and3A_103 : i32
      %mul3A_105 = arith.constant 128 : i32
      %mul3A_106 = arith.muli %and3A_104, %mul3A_105 : i32
      %dma_wait3A_107 = tpu.memref_slice %arg5[%shift_right_arithmetic3A_102, %mul3A_106] : memref<50x512xi32, #tpu.memory_space<vmem>> -> memref<1x128xi32, #tpu.memory_space<vmem>>
      %dma_wait3A_108 = tpu.memref_squeeze %dma_wait3A_107 : memref<1x128xi32, #tpu.memory_space<vmem>> -> memref<128xi32, #tpu.memory_space<vmem>>
      %dma_wait3A_109 = arith.constant 0 : i32
      %dma_wait3A_110 = arith.constant 0 : i32
      %dma_wait3A_111 = tpu.memref_slice %arg3[%dma_wait3A_109, %dma_wait3A_110] : memref<1000000x64xf32, #tpu.memory_space<hbm>> -> memref<1000000x64xf32, #tpu.memory_space<hbm>>
      tpu.wait_indirect_dma semaphore(%arg13 : memref<!tpu.dma_semaphore, #tpu.memory_space<semaphore_mem>>) src(%dma_wait3A_111 : memref<1000000x64xf32, #tpu.memory_space<hbm>>) dst(%arg9 : memref<128x64xf32, #tpu.memory_space<vmem>>)
      %and3A_112 = arith.constant 3 : i32
      %and3A_113 = arith.andi %add3A_100, %and3A_112 : i32
      %mul3A_114 = arith.constant 128 : i32
      %mul3A_115 = arith.muli %and3A_113, %mul3A_114 : i32
      %scan3A_116 = arith.constant 0 : i32
      %scan3A_117 = arith.constant 128 : i32
      %scan3A_118 = arith.addi %scan3A_116, %scan3A_117 : i32
      %scan3A_119 = arith.constant 8 : i32
      scf.for %scan3A_157 = %scan3A_116 to %scan3A_118 step %scan3A_119  : i32 {
        %mul3A_158 = arith.constant 1 : i32
        %mul3A_159 = arith.muli %scan3A_157, %mul3A_158 : i32
        %add3A_160 = arith.constant 0 : i32
        %add3A_161 = arith.addi %add3A_160, %mul3A_159 : i32
        %add3A_162 = arith.addi %mul3A_115, %add3A_161 : i32
        %get3A = arith.index_cast %add3A_161 : i32 to index
        %get3A_163 = arith.constant 0 : index
        %get3A_164 = tpu.vector_load %arg9[%get3A, %get3A_163] {strides = array<i32>} : memref<128x64xf32, #tpu.memory_space<vmem>>, vector<16xf32>,
        %swap3A = arith.index_cast %add3A_162 : i32 to index
        %swap3A_165 = arith.constant 0 : index
        %swap3A_166 = tpu.vector_load %arg6[%swap3A, %swap3A_165] {strides = array<i32>} : memref<512x64xf32, #tpu.memory_space<vmem>>, vector<16xf32>,
        tpu.vector_store %arg6[%swap3A, %swap3A_165], %get3A_164 {add = true, strides = array<i32>} : memref<512x64xf32, #tpu.memory_space<vmem>>, vector<16xf32>,
        %get3A_167 = arith.index_cast %add3A_161 : i32 to index
        %get3A_168 = arith.constant 16 : index
        %get3A_169 = tpu.vector_load %arg9[%get3A_167, %get3A_168] {strides = array<i32>} : memref<128x64xf32, #tpu.memory_space<vmem>>, vector<16xf32>,
        %swap3A_170 = arith.index_cast %add3A_162 : i32 to index
        %swap3A_171 = arith.constant 16 : index
        %swap3A_172 = tpu.vector_load %arg6[%swap3A_170, %swap3A_171] {strides = array<i32>} : memref<512x64xf32, #tpu.memory_space<vmem>>, vector<16xf32>,
        tpu.vector_store %arg6[%swap3A_170, %swap3A_171], %get3A_169 {add = true, strides = array<i32>} : memref<512x64xf32, #tpu.memory_space<vmem>>, vector<16xf32>,
        %get3A_173 = arith.index_cast %add3A_161 : i32 to index
        %get3A_174 = arith.constant 32 : index
        %get3A_175 = tpu.vector_load %arg9[%get3A_173, %get3A_174] {strides = array<i32>} : memref<128x64xf32, #tpu.memory_space<vmem>>, vector<16xf32>,
        %swap3A_176 = arith.index_cast %add3A_162 : i32 to index
        %swap3A_177 = arith.constant 32 : index
        %swap3A_178 = tpu.vector_load %arg6[%swap3A_176, %swap3A_177] {strides = array<i32>} : memref<512x64xf32, #tpu.memory_space<vmem>>, vector<16xf32>,
        tpu.vector_store %arg6[%swap3A_176, %swap3A_177], %get3A_175 {add = true, strides = array<i32>} : memref<512x64xf32, #tpu.memory_space<vmem>>, vector<16xf32>,
        %get3A_179 = arith.index_cast %add3A_161 : i32 to index
        %get3A_180 = arith.constant 48 : index
        %get3A_181 = tpu.vector_load %arg9[%get3A_179, %get3A_180] {strides = array<i32>} : memref<128x64xf32, #tpu.memory_space<vmem>>, vector<16xf32>,
        %swap3A_182 = arith.index_cast %add3A_162 : i32 to index
        %swap3A_183 = arith.constant 48 : index
        %swap3A_184 = tpu.vector_load %arg6[%swap3A_182, %swap3A_183] {strides = array<i32>} : memref<512x64xf32, #tpu.memory_space<vmem>>, vector<16xf32>,
        tpu.vector_store %arg6[%swap3A_182, %swap3A_183], %get3A_181 {add = true, strides = array<i32>} : memref<512x64xf32, #tpu.memory_space<vmem>>, vector<16xf32>,
        %scan3A_185 = arith.constant 1 : i32
        %scan3A_186 = arith.addi %scan3A_157, %scan3A_185 : i32
        %mul3A_187 = arith.constant 1 : i32
        %mul3A_188 = arith.muli %scan3A_186, %mul3A_187 : i32
        %add3A_189 = arith.constant 0 : i32
        %add3A_190 = arith.addi %add3A_189, %mul3A_188 : i32
        %add3A_191 = arith.addi %mul3A_115, %add3A_190 : i32
        %get3A_192 = arith.index_cast %add3A_190 : i32 to index
        %get3A_193 = arith.constant 0 : index
        %get3A_194 = tpu.vector_load %arg9[%get3A_192, %get3A_193] {strides = array<i32>} : memref<128x64xf32, #tpu.memory_space<vmem>>, vector<16xf32>,
        %swap3A_195 = arith.index_cast %add3A_191 : i32 to index
        %swap3A_196 = arith.constant 0 : index
        %swap3A_197 = tpu.vector_load %arg6[%swap3A_195, %swap3A_196] {strides = array<i32>} : memref<512x64xf32, #tpu.memory_space<vmem>>, vector<16xf32>,
        tpu.vector_store %arg6[%swap3A_195, %swap3A_196], %get3A_194 {add = true, strides = array<i32>} : memref<512x64xf32, #tpu.memory_space<vmem>>, vector<16xf32>,
        %get3A_198 = arith.index_cast %add3A_190 : i32 to index
        %get3A_199 = arith.constant 16 : index
        %get3A_200 = tpu.vector_load %arg9[%get3A_198, %get3A_199] {strides = array<i32>} : memref<128x64xf32, #tpu.memory_space<vmem>>, vector<16xf32>,
        %swap3A_201 = arith.index_cast %add3A_191 : i32 to index
        %swap3A_202 = arith.constant 16 : index
        %swap3A_203 = tpu.vector_load %arg6[%swap3A_201, %swap3A_202] {strides = array<i32>} : memref<512x64xf32, #tpu.memory_space<vmem>>, vector<16xf32>,
        tpu.vector_store %arg6[%swap3A_201, %swap3A_202], %get3A_200 {add = true, strides = array<i32>} : memref<512x64xf32, #tpu.memory_space<vmem>>, vector<16xf32>,
        %get3A_204 = arith.index_cast %add3A_190 : i32 to index
        %get3A_205 = arith.constant 32 : index
        %get3A_206 = tpu.vector_load %arg9[%get3A_204, %get3A_205] {strides = array<i32>} : memref<128x64xf32, #tpu.memory_space<vmem>>, vector<16xf32>,
        %swap3A_207 = arith.index_cast %add3A_191 : i32 to index
        %swap3A_208 = arith.constant 32 : index
        %swap3A_209 = tpu.vector_load %arg6[%swap3A_207, %swap3A_208] {strides = array<i32>} : memref<512x64xf32, #tpu.memory_space<vmem>>, vector<16xf32>,
        tpu.vector_store %arg6[%swap3A_207, %swap3A_208], %get3A_206 {add = true, strides = array<i32>} : memref<512x64xf32, #tpu.memory_space<vmem>>, vector<16xf32>,
        %get3A_210 = arith.index_cast %add3A_190 : i32 to index
        %get3A_211 = arith.constant 48 : index
        %get3A_212 = tpu.vector_load %arg9[%get3A_210, %get3A_211] {strides = array<i32>} : memref<128x64xf32, #tpu.memory_space<vmem>>, vector<16xf32>,
        %swap3A_213 = arith.index_cast %add3A_191 : i32 to index
        %swap3A_214 = arith.constant 48 : index
        %swap3A_215 = tpu.vector_load %arg6[%swap3A_213, %swap3A_214] {strides = array<i32>} : memref<512x64xf32, #tpu.memory_space<vmem>>, vector<16xf32>,
        tpu.vector_store %arg6[%swap3A_213, %swap3A_214], %get3A_212 {add = true, strides = array<i32>} : memref<512x64xf32, #tpu.memory_space<vmem>>, vector<16xf32>,
        %scan3A_216 = arith.constant 2 : i32
        %scan3A_217 = arith.addi %scan3A_157, %scan3A_216 : i32
        %mul3A_218 = arith.constant 1 : i32
        %mul3A_219 = arith.muli %scan3A_217, %mul3A_218 : i32
        %add3A_220 = arith.constant 0 : i32
        %add3A_221 = arith.addi %add3A_220, %mul3A_219 : i32
        %add3A_222 = arith.addi %mul3A_115, %add3A_221 : i32
        %get3A_223 = arith.index_cast %add3A_221 : i32 to index
        %get3A_224 = arith.constant 0 : index
        %get3A_225 = tpu.vector_load %arg9[%get3A_223, %get3A_224] {strides = array<i32>} : memref<128x64xf32, #tpu.memory_space<vmem>>, vector<16xf32>,
        %swap3A_226 = arith.index_cast %add3A_222 : i32 to index
        %swap3A_227 = arith.constant 0 : index
        %swap3A_228 = tpu.vector_load %arg6[%swap3A_226, %swap3A_227] {strides = array<i32>} : memref<512x64xf32, #tpu.memory_space<vmem>>, vector<16xf32>,
        tpu.vector_store %arg6[%swap3A_226, %swap3A_227], %get3A_225 {add = true, strides = array<i32>} : memref<512x64xf32, #tpu.memory_space<vmem>>, vector<16xf32>,
        %get3A_229 = arith.index_cast %add3A_221 : i32 to index
        %get3A_230 = arith.constant 16 : index
        %get3A_231 = tpu.vector_load %arg9[%get3A_229, %get3A_230] {strides = array<i32>} : memref<128x64xf32, #tpu.memory_space<vmem>>, vector<16xf32>,
        %swap3A_232 = arith.index_cast %add3A_222 : i32 to index
        %swap3A_233 = arith.constant 16 : index
        %swap3A_234 = tpu.vector_load %arg6[%swap3A_232, %swap3A_233] {strides = array<i32>} : memref<512x64xf32, #tpu.memory_space<vmem>>, vector<16xf32>,
        tpu.vector_store %arg6[%swap3A_232, %swap3A_233], %get3A_231 {add = true, strides = array<i32>} : memref<512x64xf32, #tpu.memory_space<vmem>>, vector<16xf32>,
        %get3A_235 = arith.index_cast %add3A_221 : i32 to index
        %get3A_236 = arith.constant 32 : index
        %get3A_237 = tpu.vector_load %arg9[%get3A_235, %get3A_236] {strides = array<i32>} : memref<128x64xf32, #tpu.memory_space<vmem>>, vector<16xf32>,
        %swap3A_238 = arith.index_cast %add3A_222 : i32 to index
        %swap3A_239 = arith.constant 32 : index
        %swap3A_240 = tpu.vector_load %arg6[%swap3A_238, %swap3A_239] {strides = array<i32>} : memref<512x64xf32, #tpu.memory_space<vmem>>, vector<16xf32>,
        tpu.vector_store %arg6[%swap3A_238, %swap3A_239], %get3A_237 {add = true, strides = array<i32>} : memref<512x64xf32, #tpu.memory_space<vmem>>, vector<16xf32>,
        %get3A_241 = arith.index_cast %add3A_221 : i32 to index
        %get3A_242 = arith.constant 48 : index
        %get3A_243 = tpu.vector_load %arg9[%get3A_241, %get3A_242] {strides = array<i32>} : memref<128x64xf32, #tpu.memory_space<vmem>>, vector<16xf32>,
        %swap3A_244 = arith.index_cast %add3A_222 : i32 to index
        %swap3A_245 = arith.constant 48 : index
        %swap3A_246 = tpu.vector_load %arg6[%swap3A_244, %swap3A_245] {strides = array<i32>} : memref<512x64xf32, #tpu.memory_space<vmem>>, vector<16xf32>,
        tpu.vector_store %arg6[%swap3A_244, %swap3A_245], %get3A_243 {add = true, strides = array<i32>} : memref<512x64xf32, #tpu.memory_space<vmem>>, vector<16xf32>,
        %scan3A_247 = arith.constant 3 : i32
        %scan3A_248 = arith.addi %scan3A_157, %scan3A_247 : i32
        %mul3A_249 = arith.constant 1 : i32
        %mul3A_250 = arith.muli %scan3A_248, %mul3A_249 : i32
        %add3A_251 = arith.constant 0 : i32
        %add3A_252 = arith.addi %add3A_251, %mul3A_250 : i32
        %add3A_253 = arith.addi %mul3A_115, %add3A_252 : i32
        %get3A_254 = arith.index_cast %add3A_252 : i32 to index
        %get3A_255 = arith.constant 0 : index
        %get3A_256 = tpu.vector_load %arg9[%get3A_254, %get3A_255] {strides = array<i32>} : memref<128x64xf32, #tpu.memory_space<vmem>>, vector<16xf32>,
        %swap3A_257 = arith.index_cast %add3A_253 : i32 to index
        %swap3A_258 = arith.constant 0 : index
        %swap3A_259 = tpu.vector_load %arg6[%swap3A_257, %swap3A_258] {strides = array<i32>} : memref<512x64xf32, #tpu.memory_space<vmem>>, vector<16xf32>,
        tpu.vector_store %arg6[%swap3A_257, %swap3A_258], %get3A_256 {add = true, strides = array<i32>} : memref<512x64xf32, #tpu.memory_space<vmem>>, vector<16xf32>,
        %get3A_260 = arith.index_cast %add3A_252 : i32 to index
        %get3A_261 = arith.constant 16 : index
        %get3A_262 = tpu.vector_load %arg9[%get3A_260, %get3A_261] {strides = array<i32>} : memref<128x64xf32, #tpu.memory_space<vmem>>, vector<16xf32>,
        %swap3A_263 = arith.index_cast %add3A_253 : i32 to index
        %swap3A_264 = arith.constant 16 : index
        %swap3A_265 = tpu.vector_load %arg6[%swap3A_263, %swap3A_264] {strides = array<i32>} : memref<512x64xf32, #tpu.memory_space<vmem>>, vector<16xf32>,
        tpu.vector_store %arg6[%swap3A_263, %swap3A_264], %get3A_262 {add = true, strides = array<i32>} : memref<512x64xf32, #tpu.memory_space<vmem>>, vector<16xf32>,
        %get3A_266 = arith.index_cast %add3A_252 : i32 to index
        %get3A_267 = arith.constant 32 : index
        %get3A_268 = tpu.vector_load %arg9[%get3A_266, %get3A_267] {strides = array<i32>} : memref<128x64xf32, #tpu.memory_space<vmem>>, vector<16xf32>,
        %swap3A_269 = arith.index_cast %add3A_253 : i32 to index
        %swap3A_270 = arith.constant 32 : index
        %swap3A_271 = tpu.vector_load %arg6[%swap3A_269, %swap3A_270] {strides = array<i32>} : memref<512x64xf32, #tpu.memory_space<vmem>>, vector<16xf32>,
        tpu.vector_store %arg6[%swap3A_269, %swap3A_270], %get3A_268 {add = true, strides = array<i32>} : memref<512x64xf32, #tpu.memory_space<vmem>>, vector<16xf32>,
        %get3A_272 = arith.index_cast %add3A_252 : i32 to index
        %get3A_273 = arith.constant 48 : index
        %get3A_274 = tpu.vector_load %arg9[%get3A_272, %get3A_273] {strides = array<i32>} : memref<128x64xf32, #tpu.memory_space<vmem>>, vector<16xf32>,
        %swap3A_275 = arith.index_cast %add3A_253 : i32 to index
        %swap3A_276 = arith.constant 48 : index
        %swap3A_277 = tpu.vector_load %arg6[%swap3A_275, %swap3A_276] {strides = array<i32>} : memref<512x64xf32, #tpu.memory_space<vmem>>, vector<16xf32>,
        tpu.vector_store %arg6[%swap3A_275, %swap3A_276], %get3A_274 {add = true, strides = array<i32>} : memref<512x64xf32, #tpu.memory_space<vmem>>, vector<16xf32>,
        %scan3A_278 = arith.constant 4 : i32
        %scan3A_279 = arith.addi %scan3A_157, %scan3A_278 : i32
        %mul3A_280 = arith.constant 1 : i32
        %mul3A_281 = arith.muli %scan3A_279, %mul3A_280 : i32
        %add3A_282 = arith.constant 0 : i32
        %add3A_283 = arith.addi %add3A_282, %mul3A_281 : i32
        %add3A_284 = arith.addi %mul3A_115, %add3A_283 : i32
        %get3A_285 = arith.index_cast %add3A_283 : i32 to index
        %get3A_286 = arith.constant 0 : index
        %get3A_287 = tpu.vector_load %arg9[%get3A_285, %get3A_286] {strides = array<i32>} : memref<128x64xf32, #tpu.memory_space<vmem>>, vector<16xf32>,
        %swap3A_288 = arith.index_cast %add3A_284 : i32 to index
        %swap3A_289 = arith.constant 0 : index
        %swap3A_290 = tpu.vector_load %arg6[%swap3A_288, %swap3A_289] {strides = array<i32>} : memref<512x64xf32, #tpu.memory_space<vmem>>, vector<16xf32>,
        tpu.vector_store %arg6[%swap3A_288, %swap3A_289], %get3A_287 {add = true, strides = array<i32>} : memref<512x64xf32, #tpu.memory_space<vmem>>, vector<16xf32>,
        %get3A_291 = arith.index_cast %add3A_283 : i32 to index
        %get3A_292 = arith.constant 16 : index
        %get3A_293 = tpu.vector_load %arg9[%get3A_291, %get3A_292] {strides = array<i32>} : memref<128x64xf32, #tpu.memory_space<vmem>>, vector<16xf32>,
        %swap3A_294 = arith.index_cast %add3A_284 : i32 to index
        %swap3A_295 = arith.constant 16 : index
        %swap3A_296 = tpu.vector_load %arg6[%swap3A_294, %swap3A_295] {strides = array<i32>} : memref<512x64xf32, #tpu.memory_space<vmem>>, vector<16xf32>,
        tpu.vector_store %arg6[%swap3A_294, %swap3A_295], %get3A_293 {add = true, strides = array<i32>} : memref<512x64xf32, #tpu.memory_space<vmem>>, vector<16xf32>,
        %get3A_297 = arith.index_cast %add3A_283 : i32 to index
        %get3A_298 = arith.constant 32 : index
        %get3A_299 = tpu.vector_load %arg9[%get3A_297, %get3A_298] {strides = array<i32>} : memref<128x64xf32, #tpu.memory_space<vmem>>, vector<16xf32>,
        %swap3A_300 = arith.index_cast %add3A_284 : i32 to index
        %swap3A_301 = arith.constant 32 : index
        %swap3A_302 = tpu.vector_load %arg6[%swap3A_300, %swap3A_301] {strides = array<i32>} : memref<512x64xf32, #tpu.memory_space<vmem>>, vector<16xf32>,
        tpu.vector_store %arg6[%swap3A_300, %swap3A_301], %get3A_299 {add = true, strides = array<i32>} : memref<512x64xf32, #tpu.memory_space<vmem>>, vector<16xf32>,
        %get3A_303 = arith.index_cast %add3A_283 : i32 to index
        %get3A_304 = arith.constant 48 : index
        %get3A_305 = tpu.vector_load %arg9[%get3A_303, %get3A_304] {strides = array<i32>} : memref<128x64xf32, #tpu.memory_space<vmem>>, vector<16xf32>,
        %swap3A_306 = arith.index_cast %add3A_284 : i32 to index
        %swap3A_307 = arith.constant 48 : index
        %swap3A_308 = tpu.vector_load %arg6[%swap3A_306, %swap3A_307] {strides = array<i32>} : memref<512x64xf32, #tpu.memory_space<vmem>>, vector<16xf32>,
        tpu.vector_store %arg6[%swap3A_306, %swap3A_307], %get3A_305 {add = true, strides = array<i32>} : memref<512x64xf32, #tpu.memory_space<vmem>>, vector<16xf32>,
        %scan3A_309 = arith.constant 5 : i32
        %scan3A_310 = arith.addi %scan3A_157, %scan3A_309 : i32
        %mul3A_311 = arith.constant 1 : i32
        %mul3A_312 = arith.muli %scan3A_310, %mul3A_311 : i32
        %add3A_313 = arith.constant 0 : i32
        %add3A_314 = arith.addi %add3A_313, %mul3A_312 : i32
        %add3A_315 = arith.addi %mul3A_115, %add3A_314 : i32
        %get3A_316 = arith.index_cast %add3A_314 : i32 to index
        %get3A_317 = arith.constant 0 : index
        %get3A_318 = tpu.vector_load %arg9[%get3A_316, %get3A_317] {strides = array<i32>} : memref<128x64xf32, #tpu.memory_space<vmem>>, vector<16xf32>,
        %swap3A_319 = arith.index_cast %add3A_315 : i32 to index
        %swap3A_320 = arith.constant 0 : index
        %swap3A_321 = tpu.vector_load %arg6[%swap3A_319, %swap3A_320] {strides = array<i32>} : memref<512x64xf32, #tpu.memory_space<vmem>>, vector<16xf32>,
        tpu.vector_store %arg6[%swap3A_319, %swap3A_320], %get3A_318 {add = true, strides = array<i32>} : memref<512x64xf32, #tpu.memory_space<vmem>>, vector<16xf32>,
        %get3A_322 = arith.index_cast %add3A_314 : i32 to index
        %get3A_323 = arith.constant 16 : index
        %get3A_324 = tpu.vector_load %arg9[%get3A_322, %get3A_323] {strides = array<i32>} : memref<128x64xf32, #tpu.memory_space<vmem>>, vector<16xf32>,
        %swap3A_325 = arith.index_cast %add3A_315 : i32 to index
        %swap3A_326 = arith.constant 16 : index
        %swap3A_327 = tpu.vector_load %arg6[%swap3A_325, %swap3A_326] {strides = array<i32>} : memref<512x64xf32, #tpu.memory_space<vmem>>, vector<16xf32>,
        tpu.vector_store %arg6[%swap3A_325, %swap3A_326], %get3A_324 {add = true, strides = array<i32>} : memref<512x64xf32, #tpu.memory_space<vmem>>, vector<16xf32>,
        %get3A_328 = arith.index_cast %add3A_314 : i32 to index
        %get3A_329 = arith.constant 32 : index
        %get3A_330 = tpu.vector_load %arg9[%get3A_328, %get3A_329] {strides = array<i32>} : memref<128x64xf32, #tpu.memory_space<vmem>>, vector<16xf32>,
        %swap3A_331 = arith.index_cast %add3A_315 : i32 to index
        %swap3A_332 = arith.constant 32 : index
        %swap3A_333 = tpu.vector_load %arg6[%swap3A_331, %swap3A_332] {strides = array<i32>} : memref<512x64xf32, #tpu.memory_space<vmem>>, vector<16xf32>,
        tpu.vector_store %arg6[%swap3A_331, %swap3A_332], %get3A_330 {add = true, strides = array<i32>} : memref<512x64xf32, #tpu.memory_space<vmem>>, vector<16xf32>,
        %get3A_334 = arith.index_cast %add3A_314 : i32 to index
        %get3A_335 = arith.constant 48 : index
        %get3A_336 = tpu.vector_load %arg9[%get3A_334, %get3A_335] {strides = array<i32>} : memref<128x64xf32, #tpu.memory_space<vmem>>, vector<16xf32>,
        %swap3A_337 = arith.index_cast %add3A_315 : i32 to index
        %swap3A_338 = arith.constant 48 : index
        %swap3A_339 = tpu.vector_load %arg6[%swap3A_337, %swap3A_338] {strides = array<i32>} : memref<512x64xf32, #tpu.memory_space<vmem>>, vector<16xf32>,
        tpu.vector_store %arg6[%swap3A_337, %swap3A_338], %get3A_336 {add = true, strides = array<i32>} : memref<512x64xf32, #tpu.memory_space<vmem>>, vector<16xf32>,
        %scan3A_340 = arith.constant 6 : i32
        %scan3A_341 = arith.addi %scan3A_157, %scan3A_340 : i32
        %mul3A_342 = arith.constant 1 : i32
        %mul3A_343 = arith.muli %scan3A_341, %mul3A_342 : i32
        %add3A_344 = arith.constant 0 : i32
        %add3A_345 = arith.addi %add3A_344, %mul3A_343 : i32
        %add3A_346 = arith.addi %mul3A_115, %add3A_345 : i32
        %get3A_347 = arith.index_cast %add3A_345 : i32 to index
        %get3A_348 = arith.constant 0 : index
        %get3A_349 = tpu.vector_load %arg9[%get3A_347, %get3A_348] {strides = array<i32>} : memref<128x64xf32, #tpu.memory_space<vmem>>, vector<16xf32>,
        %swap3A_350 = arith.index_cast %add3A_346 : i32 to index
        %swap3A_351 = arith.constant 0 : index
        %swap3A_352 = tpu.vector_load %arg6[%swap3A_350, %swap3A_351] {strides = array<i32>} : memref<512x64xf32, #tpu.memory_space<vmem>>, vector<16xf32>,
        tpu.vector_store %arg6[%swap3A_350, %swap3A_351], %get3A_349 {add = true, strides = array<i32>} : memref<512x64xf32, #tpu.memory_space<vmem>>, vector<16xf32>,
        %get3A_353 = arith.index_cast %add3A_345 : i32 to index
        %get3A_354 = arith.constant 16 : index
        %get3A_355 = tpu.vector_load %arg9[%get3A_353, %get3A_354] {strides = array<i32>} : memref<128x64xf32, #tpu.memory_space<vmem>>, vector<16xf32>,
        %swap3A_356 = arith.index_cast %add3A_346 : i32 to index
        %swap3A_357 = arith.constant 16 : index
        %swap3A_358 = tpu.vector_load %arg6[%swap3A_356, %swap3A_357] {strides = array<i32>} : memref<512x64xf32, #tpu.memory_space<vmem>>, vector<16xf32>,
        tpu.vector_store %arg6[%swap3A_356, %swap3A_357], %get3A_355 {add = true, strides = array<i32>} : memref<512x64xf32, #tpu.memory_space<vmem>>, vector<16xf32>,
        %get3A_359 = arith.index_cast %add3A_345 : i32 to index
        %get3A_360 = arith.constant 32 : index
        %get3A_361 = tpu.vector_load %arg9[%get3A_359, %get3A_360] {strides = array<i32>} : memref<128x64xf32, #tpu.memory_space<vmem>>, vector<16xf32>,
        %swap3A_362 = arith.index_cast %add3A_346 : i32 to index
        %swap3A_363 = arith.constant 32 : index
        %swap3A_364 = tpu.vector_load %arg6[%swap3A_362, %swap3A_363] {strides = array<i32>} : memref<512x64xf32, #tpu.memory_space<vmem>>, vector<16xf32>,
        tpu.vector_store %arg6[%swap3A_362, %swap3A_363], %get3A_361 {add = true, strides = array<i32>} : memref<512x64xf32, #tpu.memory_space<vmem>>, vector<16xf32>,
        %get3A_365 = arith.index_cast %add3A_345 : i32 to index
        %get3A_366 = arith.constant 48 : index
        %get3A_367 = tpu.vector_load %arg9[%get3A_365, %get3A_366] {strides = array<i32>} : memref<128x64xf32, #tpu.memory_space<vmem>>, vector<16xf32>,
        %swap3A_368 = arith.index_cast %add3A_346 : i32 to index
        %swap3A_369 = arith.constant 48 : index
        %swap3A_370 = tpu.vector_load %arg6[%swap3A_368, %swap3A_369] {strides = array<i32>} : memref<512x64xf32, #tpu.memory_space<vmem>>, vector<16xf32>,
        tpu.vector_store %arg6[%swap3A_368, %swap3A_369], %get3A_367 {add = true, strides = array<i32>} : memref<512x64xf32, #tpu.memory_space<vmem>>, vector<16xf32>,
        %scan3A_371 = arith.constant 7 : i32
        %scan3A_372 = arith.addi %scan3A_157, %scan3A_371 : i32
        %mul3A_373 = arith.constant 1 : i32
        %mul3A_374 = arith.muli %scan3A_372, %mul3A_373 : i32
        %add3A_375 = arith.constant 0 : i32
        %add3A_376 = arith.addi %add3A_375, %mul3A_374 : i32
        %add3A_377 = arith.addi %mul3A_115, %add3A_376 : i32
        %get3A_378 = arith.index_cast %add3A_376 : i32 to index
        %get3A_379 = arith.constant 0 : index
        %get3A_380 = tpu.vector_load %arg9[%get3A_378, %get3A_379] {strides = array<i32>} : memref<128x64xf32, #tpu.memory_space<vmem>>, vector<16xf32>,
        %swap3A_381 = arith.index_cast %add3A_377 : i32 to index
        %swap3A_382 = arith.constant 0 : index
        %swap3A_383 = tpu.vector_load %arg6[%swap3A_381, %swap3A_382] {strides = array<i32>} : memref<512x64xf32, #tpu.memory_space<vmem>>, vector<16xf32>,
        tpu.vector_store %arg6[%swap3A_381, %swap3A_382], %get3A_380 {add = true, strides = array<i32>} : memref<512x64xf32, #tpu.memory_space<vmem>>, vector<16xf32>,
        %get3A_384 = arith.index_cast %add3A_376 : i32 to index
        %get3A_385 = arith.constant 16 : index
        %get3A_386 = tpu.vector_load %arg9[%get3A_384, %get3A_385] {strides = array<i32>} : memref<128x64xf32, #tpu.memory_space<vmem>>, vector<16xf32>,
        %swap3A_387 = arith.index_cast %add3A_377 : i32 to index
        %swap3A_388 = arith.constant 16 : index
        %swap3A_389 = tpu.vector_load %arg6[%swap3A_387, %swap3A_388] {strides = array<i32>} : memref<512x64xf32, #tpu.memory_space<vmem>>, vector<16xf32>,
        tpu.vector_store %arg6[%swap3A_387, %swap3A_388], %get3A_386 {add = true, strides = array<i32>} : memref<512x64xf32, #tpu.memory_space<vmem>>, vector<16xf32>,
        %get3A_390 = arith.index_cast %add3A_376 : i32 to index
        %get3A_391 = arith.constant 32 : index
        %get3A_392 = tpu.vector_load %arg9[%get3A_390, %get3A_391] {strides = array<i32>} : memref<128x64xf32, #tpu.memory_space<vmem>>, vector<16xf32>,
        %swap3A_393 = arith.index_cast %add3A_377 : i32 to index
        %swap3A_394 = arith.constant 32 : index
        %swap3A_395 = tpu.vector_load %arg6[%swap3A_393, %swap3A_394] {strides = array<i32>} : memref<512x64xf32, #tpu.memory_space<vmem>>, vector<16xf32>,
        tpu.vector_store %arg6[%swap3A_393, %swap3A_394], %get3A_392 {add = true, strides = array<i32>} : memref<512x64xf32, #tpu.memory_space<vmem>>, vector<16xf32>,
        %get3A_396 = arith.index_cast %add3A_376 : i32 to index
        %get3A_397 = arith.constant 48 : index
        %get3A_398 = tpu.vector_load %arg9[%get3A_396, %get3A_397] {strides = array<i32>} : memref<128x64xf32, #tpu.memory_space<vmem>>, vector<16xf32>,
        %swap3A_399 = arith.index_cast %add3A_377 : i32 to index
        %swap3A_400 = arith.constant 48 : index
        %swap3A_401 = tpu.vector_load %arg6[%swap3A_399, %swap3A_400] {strides = array<i32>} : memref<512x64xf32, #tpu.memory_space<vmem>>, vector<16xf32>,
        tpu.vector_store %arg6[%swap3A_399, %swap3A_400], %get3A_398 {add = true, strides = array<i32>} : memref<512x64xf32, #tpu.memory_space<vmem>>, vector<16xf32>,
      }
      %scan3A_120 = arith.constant 128 : i32
      %add3A_121 = arith.constant 4 : i32
      %add3A_122 = arith.addi %add3A_100, %add3A_121 : i32
      %lt3A_123 = arith.constant 200 : i32
      %lt3A_124 = arith.cmpi slt, %add3A_122, %lt3A_123 : i32
      %convert_element_type3A_125 = arith.extui %lt3A_124 : i1 to i32
      %cond3A_126 = arith.constant 0 : i32
      %cond3A_127 = arith.cmpi ne, %convert_element_type3A_125, %cond3A_126 : i32
      scf.if %cond3A_127 {
        %shift_right_arithmetic3A_157 = arith.constant 2 : i32
        %shift_right_arithmetic3A_158 = arith.shrsi %add3A_122, %shift_right_arithmetic3A_157 : i32
        %and3A_159 = arith.constant 3 : i32
        %and3A_160 = arith.andi %add3A_122, %and3A_159 : i32
        %mul3A_161 = arith.constant 128 : i32
        %mul3A_162 = arith.muli %and3A_160, %mul3A_161 : i32
        %dma_start3A_163 = tpu.memref_slice %arg5[%shift_right_arithmetic3A_158, %mul3A_162] : memref<50x512xi32, #tpu.memory_space<vmem>> -> memref<1x128xi32, #tpu.memory_space<vmem>>
        %dma_start3A_164 = tpu.memref_squeeze %dma_start3A_163 : memref<1x128xi32, #tpu.memory_space<vmem>> -> memref<128xi32, #tpu.memory_space<vmem>>
        %dma_start3A_165 = arith.constant 0 : i32
        %dma_start3A_166 = arith.constant 0 : i32
        %dma_start3A_167 = tpu.memref_slice %arg3[%dma_start3A_165, %dma_start3A_166] : memref<1000000x64xf32, #tpu.memory_space<hbm>> -> memref<1000000x64xf32, #tpu.memory_space<hbm>>
        tpu.enqueue_indirect_dma source(%dma_start3A_167 : memref<1000000x64xf32, #tpu.memory_space<hbm>>) target(%arg9 : memref<128x64xf32, #tpu.memory_space<vmem>>) offsets(%dma_start3A_164 : memref<128xi32, #tpu.memory_space<vmem>>) semaphore(%arg13 : memref<!tpu.dma_semaphore, #tpu.memory_space<semaphore_mem>>)
      } else {
      }
      %add3A_128 = arith.constant 3 : i32
      %add3A_129 = arith.addi %add3A_46, %add3A_128 : i32
      %shift_right_arithmetic3A_130 = arith.constant 2 : i32
      %shift_right_arithmetic3A_131 = arith.shrsi %add3A_129, %shift_right_arithmetic3A_130 : i32
      %and3A_132 = arith.constant 3 : i32
      %and3A_133 = arith.andi %add3A_129, %and3A_132 : i32
      %mul3A_134 = arith.constant 128 : i32
      %mul3A_135 = arith.muli %and3A_133, %mul3A_134 : i32
      %dma_wait3A_136 = tpu.memref_slice %arg5[%shift_right_arithmetic3A_131, %mul3A_135] : memref<50x512xi32, #tpu.memory_space<vmem>> -> memref<1x128xi32, #tpu.memory_space<vmem>>
      %dma_wait3A_137 = tpu.memref_squeeze %dma_wait3A_136 : memref<1x128xi32, #tpu.memory_space<vmem>> -> memref<128xi32, #tpu.memory_space<vmem>>
      %dma_wait3A_138 = arith.constant 0 : i32
      %dma_wait3A_139 = arith.constant 0 : i32
      %dma_wait3A_140 = tpu.memref_slice %arg3[%dma_wait3A_138, %dma_wait3A_139] : memref<1000000x64xf32, #tpu.memory_space<hbm>> -> memref<1000000x64xf32, #tpu.memory_space<hbm>>
      tpu.wait_indirect_dma semaphore(%arg14 : memref<!tpu.dma_semaphore, #tpu.memory_space<semaphore_mem>>) src(%dma_wait3A_140 : memref<1000000x64xf32, #tpu.memory_space<hbm>>) dst(%arg10 : memref<128x64xf32, #tpu.memory_space<vmem>>)
      %and3A_141 = arith.constant 3 : i32
      %and3A_142 = arith.andi %add3A_129, %and3A_141 : i32
      %mul3A_143 = arith.constant 128 : i32
      %mul3A_144 = arith.muli %and3A_142, %mul3A_143 : i32
      %scan3A_145 = arith.constant 0 : i32
      %scan3A_146 = arith.constant 128 : i32
      %scan3A_147 = arith.addi %scan3A_145, %scan3A_146 : i32
      %scan3A_148 = arith.constant 8 : i32
      scf.for %scan3A_157 = %scan3A_145 to %scan3A_147 step %scan3A_148  : i32 {
        %mul3A_158 = arith.constant 1 : i32
        %mul3A_159 = arith.muli %scan3A_157, %mul3A_158 : i32
        %add3A_160 = arith.constant 0 : i32
        %add3A_161 = arith.addi %add3A_160, %mul3A_159 : i32
        %add3A_162 = arith.addi %mul3A_144, %add3A_161 : i32
        %get3A = arith.index_cast %add3A_161 : i32 to index
        %get3A_163 = arith.constant 0 : index
        %get3A_164 = tpu.vector_load %arg10[%get3A, %get3A_163] {strides = array<i32>} : memref<128x64xf32, #tpu.memory_space<vmem>>, vector<16xf32>,
        %swap3A = arith.index_cast %add3A_162 : i32 to index
        %swap3A_165 = arith.constant 0 : index
        %swap3A_166 = tpu.vector_load %arg6[%swap3A, %swap3A_165] {strides = array<i32>} : memref<512x64xf32, #tpu.memory_space<vmem>>, vector<16xf32>,
        tpu.vector_store %arg6[%swap3A, %swap3A_165], %get3A_164 {add = true, strides = array<i32>} : memref<512x64xf32, #tpu.memory_space<vmem>>, vector<16xf32>,
        %get3A_167 = arith.index_cast %add3A_161 : i32 to index
        %get3A_168 = arith.constant 16 : index
        %get3A_169 = tpu.vector_load %arg10[%get3A_167, %get3A_168] {strides = array<i32>} : memref<128x64xf32, #tpu.memory_space<vmem>>, vector<16xf32>,
        %swap3A_170 = arith.index_cast %add3A_162 : i32 to index
        %swap3A_171 = arith.constant 16 : index
        %swap3A_172 = tpu.vector_load %arg6[%swap3A_170, %swap3A_171] {strides = array<i32>} : memref<512x64xf32, #tpu.memory_space<vmem>>, vector<16xf32>,
        tpu.vector_store %arg6[%swap3A_170, %swap3A_171], %get3A_169 {add = true, strides = array<i32>} : memref<512x64xf32, #tpu.memory_space<vmem>>, vector<16xf32>,
        %get3A_173 = arith.index_cast %add3A_161 : i32 to index
        %get3A_174 = arith.constant 32 : index
        %get3A_175 = tpu.vector_load %arg10[%get3A_173, %get3A_174] {strides = array<i32>} : memref<128x64xf32, #tpu.memory_space<vmem>>, vector<16xf32>,
        %swap3A_176 = arith.index_cast %add3A_162 : i32 to index
        %swap3A_177 = arith.constant 32 : index
        %swap3A_178 = tpu.vector_load %arg6[%swap3A_176, %swap3A_177] {strides = array<i32>} : memref<512x64xf32, #tpu.memory_space<vmem>>, vector<16xf32>,
        tpu.vector_store %arg6[%swap3A_176, %swap3A_177], %get3A_175 {add = true, strides = array<i32>} : memref<512x64xf32, #tpu.memory_space<vmem>>, vector<16xf32>,
        %get3A_179 = arith.index_cast %add3A_161 : i32 to index
        %get3A_180 = arith.constant 48 : index
        %get3A_181 = tpu.vector_load %arg10[%get3A_179, %get3A_180] {strides = array<i32>} : memref<128x64xf32, #tpu.memory_space<vmem>>, vector<16xf32>,
        %swap3A_182 = arith.index_cast %add3A_162 : i32 to index
        %swap3A_183 = arith.constant 48 : index
        %swap3A_184 = tpu.vector_load %arg6[%swap3A_182, %swap3A_183] {strides = array<i32>} : memref<512x64xf32, #tpu.memory_space<vmem>>, vector<16xf32>,
        tpu.vector_store %arg6[%swap3A_182, %swap3A_183], %get3A_181 {add = true, strides = array<i32>} : memref<512x64xf32, #tpu.memory_space<vmem>>, vector<16xf32>,
        %scan3A_185 = arith.constant 1 : i32
        %scan3A_186 = arith.addi %scan3A_157, %scan3A_185 : i32
        %mul3A_187 = arith.constant 1 : i32
        %mul3A_188 = arith.muli %scan3A_186, %mul3A_187 : i32
        %add3A_189 = arith.constant 0 : i32
        %add3A_190 = arith.addi %add3A_189, %mul3A_188 : i32
        %add3A_191 = arith.addi %mul3A_144, %add3A_190 : i32
        %get3A_192 = arith.index_cast %add3A_190 : i32 to index
        %get3A_193 = arith.constant 0 : index
        %get3A_194 = tpu.vector_load %arg10[%get3A_192, %get3A_193] {strides = array<i32>} : memref<128x64xf32, #tpu.memory_space<vmem>>, vector<16xf32>,
        %swap3A_195 = arith.index_cast %add3A_191 : i32 to index
        %swap3A_196 = arith.constant 0 : index
        %swap3A_197 = tpu.vector_load %arg6[%swap3A_195, %swap3A_196] {strides = array<i32>} : memref<512x64xf32, #tpu.memory_space<vmem>>, vector<16xf32>,
        tpu.vector_store %arg6[%swap3A_195, %swap3A_196], %get3A_194 {add = true, strides = array<i32>} : memref<512x64xf32, #tpu.memory_space<vmem>>, vector<16xf32>,
        %get3A_198 = arith.index_cast %add3A_190 : i32 to index
        %get3A_199 = arith.constant 16 : index
        %get3A_200 = tpu.vector_load %arg10[%get3A_198, %get3A_199] {strides = array<i32>} : memref<128x64xf32, #tpu.memory_space<vmem>>, vector<16xf32>,
        %swap3A_201 = arith.index_cast %add3A_191 : i32 to index
        %swap3A_202 = arith.constant 16 : index
        %swap3A_203 = tpu.vector_load %arg6[%swap3A_201, %swap3A_202] {strides = array<i32>} : memref<512x64xf32, #tpu.memory_space<vmem>>, vector<16xf32>,
        tpu.vector_store %arg6[%swap3A_201, %swap3A_202], %get3A_200 {add = true, strides = array<i32>} : memref<512x64xf32, #tpu.memory_space<vmem>>, vector<16xf32>,
        %get3A_204 = arith.index_cast %add3A_190 : i32 to index
        %get3A_205 = arith.constant 32 : index
        %get3A_206 = tpu.vector_load %arg10[%get3A_204, %get3A_205] {strides = array<i32>} : memref<128x64xf32, #tpu.memory_space<vmem>>, vector<16xf32>,
        %swap3A_207 = arith.index_cast %add3A_191 : i32 to index
        %swap3A_208 = arith.constant 32 : index
        %swap3A_209 = tpu.vector_load %arg6[%swap3A_207, %swap3A_208] {strides = array<i32>} : memref<512x64xf32, #tpu.memory_space<vmem>>, vector<16xf32>,
        tpu.vector_store %arg6[%swap3A_207, %swap3A_208], %get3A_206 {add = true, strides = array<i32>} : memref<512x64xf32, #tpu.memory_space<vmem>>, vector<16xf32>,
        %get3A_210 = arith.index_cast %add3A_190 : i32 to index
        %get3A_211 = arith.constant 48 : index
        %get3A_212 = tpu.vector_load %arg10[%get3A_210, %get3A_211] {strides = array<i32>} : memref<128x64xf32, #tpu.memory_space<vmem>>, vector<16xf32>,
        %swap3A_213 = arith.index_cast %add3A_191 : i32 to index
        %swap3A_214 = arith.constant 48 : index
        %swap3A_215 = tpu.vector_load %arg6[%swap3A_213, %swap3A_214] {strides = array<i32>} : memref<512x64xf32, #tpu.memory_space<vmem>>, vector<16xf32>,
        tpu.vector_store %arg6[%swap3A_213, %swap3A_214], %get3A_212 {add = true, strides = array<i32>} : memref<512x64xf32, #tpu.memory_space<vmem>>, vector<16xf32>,
        %scan3A_216 = arith.constant 2 : i32
        %scan3A_217 = arith.addi %scan3A_157, %scan3A_216 : i32
        %mul3A_218 = arith.constant 1 : i32
        %mul3A_219 = arith.muli %scan3A_217, %mul3A_218 : i32
        %add3A_220 = arith.constant 0 : i32
        %add3A_221 = arith.addi %add3A_220, %mul3A_219 : i32
        %add3A_222 = arith.addi %mul3A_144, %add3A_221 : i32
        %get3A_223 = arith.index_cast %add3A_221 : i32 to index
        %get3A_224 = arith.constant 0 : index
        %get3A_225 = tpu.vector_load %arg10[%get3A_223, %get3A_224] {strides = array<i32>} : memref<128x64xf32, #tpu.memory_space<vmem>>, vector<16xf32>,
        %swap3A_226 = arith.index_cast %add3A_222 : i32 to index
        %swap3A_227 = arith.constant 0 : index
        %swap3A_228 = tpu.vector_load %arg6[%swap3A_226, %swap3A_227] {strides = array<i32>} : memref<512x64xf32, #tpu.memory_space<vmem>>, vector<16xf32>,
        tpu.vector_store %arg6[%swap3A_226, %swap3A_227], %get3A_225 {add = true, strides = array<i32>} : memref<512x64xf32, #tpu.memory_space<vmem>>, vector<16xf32>,
        %get3A_229 = arith.index_cast %add3A_221 : i32 to index
        %get3A_230 = arith.constant 16 : index
        %get3A_231 = tpu.vector_load %arg10[%get3A_229, %get3A_230] {strides = array<i32>} : memref<128x64xf32, #tpu.memory_space<vmem>>, vector<16xf32>,
        %swap3A_232 = arith.index_cast %add3A_222 : i32 to index
        %swap3A_233 = arith.constant 16 : index
        %swap3A_234 = tpu.vector_load %arg6[%swap3A_232, %swap3A_233] {strides = array<i32>} : memref<512x64xf32, #tpu.memory_space<vmem>>, vector<16xf32>,
        tpu.vector_store %arg6[%swap3A_232, %swap3A_233], %get3A_231 {add = true, strides = array<i32>} : memref<512x64xf32, #tpu.memory_space<vmem>>, vector<16xf32>,
        %get3A_235 = arith.index_cast %add3A_221 : i32 to index
        %get3A_236 = arith.constant 32 : index
        %get3A_237 = tpu.vector_load %arg10[%get3A_235, %get3A_236] {strides = array<i32>} : memref<128x64xf32, #tpu.memory_space<vmem>>, vector<16xf32>,
        %swap3A_238 = arith.index_cast %add3A_222 : i32 to index
        %swap3A_239 = arith.constant 32 : index
        %swap3A_240 = tpu.vector_load %arg6[%swap3A_238, %swap3A_239] {strides = array<i32>} : memref<512x64xf32, #tpu.memory_space<vmem>>, vector<16xf32>,
        tpu.vector_store %arg6[%swap3A_238, %swap3A_239], %get3A_237 {add = true, strides = array<i32>} : memref<512x64xf32, #tpu.memory_space<vmem>>, vector<16xf32>,
        %get3A_241 = arith.index_cast %add3A_221 : i32 to index
        %get3A_242 = arith.constant 48 : index
        %get3A_243 = tpu.vector_load %arg10[%get3A_241, %get3A_242] {strides = array<i32>} : memref<128x64xf32, #tpu.memory_space<vmem>>, vector<16xf32>,
        %swap3A_244 = arith.index_cast %add3A_222 : i32 to index
        %swap3A_245 = arith.constant 48 : index
        %swap3A_246 = tpu.vector_load %arg6[%swap3A_244, %swap3A_245] {strides = array<i32>} : memref<512x64xf32, #tpu.memory_space<vmem>>, vector<16xf32>,
        tpu.vector_store %arg6[%swap3A_244, %swap3A_245], %get3A_243 {add = true, strides = array<i32>} : memref<512x64xf32, #tpu.memory_space<vmem>>, vector<16xf32>,
        %scan3A_247 = arith.constant 3 : i32
        %scan3A_248 = arith.addi %scan3A_157, %scan3A_247 : i32
        %mul3A_249 = arith.constant 1 : i32
        %mul3A_250 = arith.muli %scan3A_248, %mul3A_249 : i32
        %add3A_251 = arith.constant 0 : i32
        %add3A_252 = arith.addi %add3A_251, %mul3A_250 : i32
        %add3A_253 = arith.addi %mul3A_144, %add3A_252 : i32
        %get3A_254 = arith.index_cast %add3A_252 : i32 to index
        %get3A_255 = arith.constant 0 : index
        %get3A_256 = tpu.vector_load %arg10[%get3A_254, %get3A_255] {strides = array<i32>} : memref<128x64xf32, #tpu.memory_space<vmem>>, vector<16xf32>,
        %swap3A_257 = arith.index_cast %add3A_253 : i32 to index
        %swap3A_258 = arith.constant 0 : index
        %swap3A_259 = tpu.vector_load %arg6[%swap3A_257, %swap3A_258] {strides = array<i32>} : memref<512x64xf32, #tpu.memory_space<vmem>>, vector<16xf32>,
        tpu.vector_store %arg6[%swap3A_257, %swap3A_258], %get3A_256 {add = true, strides = array<i32>} : memref<512x64xf32, #tpu.memory_space<vmem>>, vector<16xf32>,
        %get3A_260 = arith.index_cast %add3A_252 : i32 to index
        %get3A_261 = arith.constant 16 : index
        %get3A_262 = tpu.vector_load %arg10[%get3A_260, %get3A_261] {strides = array<i32>} : memref<128x64xf32, #tpu.memory_space<vmem>>, vector<16xf32>,
        %swap3A_263 = arith.index_cast %add3A_253 : i32 to index
        %swap3A_264 = arith.constant 16 : index
        %swap3A_265 = tpu.vector_load %arg6[%swap3A_263, %swap3A_264] {strides = array<i32>} : memref<512x64xf32, #tpu.memory_space<vmem>>, vector<16xf32>,
        tpu.vector_store %arg6[%swap3A_263, %swap3A_264], %get3A_262 {add = true, strides = array<i32>} : memref<512x64xf32, #tpu.memory_space<vmem>>, vector<16xf32>,
        %get3A_266 = arith.index_cast %add3A_252 : i32 to index
        %get3A_267 = arith.constant 32 : index
        %get3A_268 = tpu.vector_load %arg10[%get3A_266, %get3A_267] {strides = array<i32>} : memref<128x64xf32, #tpu.memory_space<vmem>>, vector<16xf32>,
        %swap3A_269 = arith.index_cast %add3A_253 : i32 to index
        %swap3A_270 = arith.constant 32 : index
        %swap3A_271 = tpu.vector_load %arg6[%swap3A_269, %swap3A_270] {strides = array<i32>} : memref<512x64xf32, #tpu.memory_space<vmem>>, vector<16xf32>,
        tpu.vector_store %arg6[%swap3A_269, %swap3A_270], %get3A_268 {add = true, strides = array<i32>} : memref<512x64xf32, #tpu.memory_space<vmem>>, vector<16xf32>,
        %get3A_272 = arith.index_cast %add3A_252 : i32 to index
        %get3A_273 = arith.constant 48 : index
        %get3A_274 = tpu.vector_load %arg10[%get3A_272, %get3A_273] {strides = array<i32>} : memref<128x64xf32, #tpu.memory_space<vmem>>, vector<16xf32>,
        %swap3A_275 = arith.index_cast %add3A_253 : i32 to index
        %swap3A_276 = arith.constant 48 : index
        %swap3A_277 = tpu.vector_load %arg6[%swap3A_275, %swap3A_276] {strides = array<i32>} : memref<512x64xf32, #tpu.memory_space<vmem>>, vector<16xf32>,
        tpu.vector_store %arg6[%swap3A_275, %swap3A_276], %get3A_274 {add = true, strides = array<i32>} : memref<512x64xf32, #tpu.memory_space<vmem>>, vector<16xf32>,
        %scan3A_278 = arith.constant 4 : i32
        %scan3A_279 = arith.addi %scan3A_157, %scan3A_278 : i32
        %mul3A_280 = arith.constant 1 : i32
        %mul3A_281 = arith.muli %scan3A_279, %mul3A_280 : i32
        %add3A_282 = arith.constant 0 : i32
        %add3A_283 = arith.addi %add3A_282, %mul3A_281 : i32
        %add3A_284 = arith.addi %mul3A_144, %add3A_283 : i32
        %get3A_285 = arith.index_cast %add3A_283 : i32 to index
        %get3A_286 = arith.constant 0 : index
        %get3A_287 = tpu.vector_load %arg10[%get3A_285, %get3A_286] {strides = array<i32>} : memref<128x64xf32, #tpu.memory_space<vmem>>, vector<16xf32>,
        %swap3A_288 = arith.index_cast %add3A_284 : i32 to index
        %swap3A_289 = arith.constant 0 : index
        %swap3A_290 = tpu.vector_load %arg6[%swap3A_288, %swap3A_289] {strides = array<i32>} : memref<512x64xf32, #tpu.memory_space<vmem>>, vector<16xf32>,
        tpu.vector_store %arg6[%swap3A_288, %swap3A_289], %get3A_287 {add = true, strides = array<i32>} : memref<512x64xf32, #tpu.memory_space<vmem>>, vector<16xf32>,
        %get3A_291 = arith.index_cast %add3A_283 : i32 to index
        %get3A_292 = arith.constant 16 : index
        %get3A_293 = tpu.vector_load %arg10[%get3A_291, %get3A_292] {strides = array<i32>} : memref<128x64xf32, #tpu.memory_space<vmem>>, vector<16xf32>,
        %swap3A_294 = arith.index_cast %add3A_284 : i32 to index
        %swap3A_295 = arith.constant 16 : index
        %swap3A_296 = tpu.vector_load %arg6[%swap3A_294, %swap3A_295] {strides = array<i32>} : memref<512x64xf32, #tpu.memory_space<vmem>>, vector<16xf32>,
        tpu.vector_store %arg6[%swap3A_294, %swap3A_295], %get3A_293 {add = true, strides = array<i32>} : memref<512x64xf32, #tpu.memory_space<vmem>>, vector<16xf32>,
        %get3A_297 = arith.index_cast %add3A_283 : i32 to index
        %get3A_298 = arith.constant 32 : index
        %get3A_299 = tpu.vector_load %arg10[%get3A_297, %get3A_298] {strides = array<i32>} : memref<128x64xf32, #tpu.memory_space<vmem>>, vector<16xf32>,
        %swap3A_300 = arith.index_cast %add3A_284 : i32 to index
        %swap3A_301 = arith.constant 32 : index
        %swap3A_302 = tpu.vector_load %arg6[%swap3A_300, %swap3A_301] {strides = array<i32>} : memref<512x64xf32, #tpu.memory_space<vmem>>, vector<16xf32>,
        tpu.vector_store %arg6[%swap3A_300, %swap3A_301], %get3A_299 {add = true, strides = array<i32>} : memref<512x64xf32, #tpu.memory_space<vmem>>, vector<16xf32>,
        %get3A_303 = arith.index_cast %add3A_283 : i32 to index
        %get3A_304 = arith.constant 48 : index
        %get3A_305 = tpu.vector_load %arg10[%get3A_303, %get3A_304] {strides = array<i32>} : memref<128x64xf32, #tpu.memory_space<vmem>>, vector<16xf32>,
        %swap3A_306 = arith.index_cast %add3A_284 : i32 to index
        %swap3A_307 = arith.constant 48 : index
        %swap3A_308 = tpu.vector_load %arg6[%swap3A_306, %swap3A_307] {strides = array<i32>} : memref<512x64xf32, #tpu.memory_space<vmem>>, vector<16xf32>,
        tpu.vector_store %arg6[%swap3A_306, %swap3A_307], %get3A_305 {add = true, strides = array<i32>} : memref<512x64xf32, #tpu.memory_space<vmem>>, vector<16xf32>,
        %scan3A_309 = arith.constant 5 : i32
        %scan3A_310 = arith.addi %scan3A_157, %scan3A_309 : i32
        %mul3A_311 = arith.constant 1 : i32
        %mul3A_312 = arith.muli %scan3A_310, %mul3A_311 : i32
        %add3A_313 = arith.constant 0 : i32
        %add3A_314 = arith.addi %add3A_313, %mul3A_312 : i32
        %add3A_315 = arith.addi %mul3A_144, %add3A_314 : i32
        %get3A_316 = arith.index_cast %add3A_314 : i32 to index
        %get3A_317 = arith.constant 0 : index
        %get3A_318 = tpu.vector_load %arg10[%get3A_316, %get3A_317] {strides = array<i32>} : memref<128x64xf32, #tpu.memory_space<vmem>>, vector<16xf32>,
        %swap3A_319 = arith.index_cast %add3A_315 : i32 to index
        %swap3A_320 = arith.constant 0 : index
        %swap3A_321 = tpu.vector_load %arg6[%swap3A_319, %swap3A_320] {strides = array<i32>} : memref<512x64xf32, #tpu.memory_space<vmem>>, vector<16xf32>,
        tpu.vector_store %arg6[%swap3A_319, %swap3A_320], %get3A_318 {add = true, strides = array<i32>} : memref<512x64xf32, #tpu.memory_space<vmem>>, vector<16xf32>,
        %get3A_322 = arith.index_cast %add3A_314 : i32 to index
        %get3A_323 = arith.constant 16 : index
        %get3A_324 = tpu.vector_load %arg10[%get3A_322, %get3A_323] {strides = array<i32>} : memref<128x64xf32, #tpu.memory_space<vmem>>, vector<16xf32>,
        %swap3A_325 = arith.index_cast %add3A_315 : i32 to index
        %swap3A_326 = arith.constant 16 : index
        %swap3A_327 = tpu.vector_load %arg6[%swap3A_325, %swap3A_326] {strides = array<i32>} : memref<512x64xf32, #tpu.memory_space<vmem>>, vector<16xf32>,
        tpu.vector_store %arg6[%swap3A_325, %swap3A_326], %get3A_324 {add = true, strides = array<i32>} : memref<512x64xf32, #tpu.memory_space<vmem>>, vector<16xf32>,
        %get3A_328 = arith.index_cast %add3A_314 : i32 to index
        %get3A_329 = arith.constant 32 : index
        %get3A_330 = tpu.vector_load %arg10[%get3A_328, %get3A_329] {strides = array<i32>} : memref<128x64xf32, #tpu.memory_space<vmem>>, vector<16xf32>,
        %swap3A_331 = arith.index_cast %add3A_315 : i32 to index
        %swap3A_332 = arith.constant 32 : index
        %swap3A_333 = tpu.vector_load %arg6[%swap3A_331, %swap3A_332] {strides = array<i32>} : memref<512x64xf32, #tpu.memory_space<vmem>>, vector<16xf32>,
        tpu.vector_store %arg6[%swap3A_331, %swap3A_332], %get3A_330 {add = true, strides = array<i32>} : memref<512x64xf32, #tpu.memory_space<vmem>>, vector<16xf32>,
        %get3A_334 = arith.index_cast %add3A_314 : i32 to index
        %get3A_335 = arith.constant 48 : index
        %get3A_336 = tpu.vector_load %arg10[%get3A_334, %get3A_335] {strides = array<i32>} : memref<128x64xf32, #tpu.memory_space<vmem>>, vector<16xf32>,
        %swap3A_337 = arith.index_cast %add3A_315 : i32 to index
        %swap3A_338 = arith.constant 48 : index
        %swap3A_339 = tpu.vector_load %arg6[%swap3A_337, %swap3A_338] {strides = array<i32>} : memref<512x64xf32, #tpu.memory_space<vmem>>, vector<16xf32>,
        tpu.vector_store %arg6[%swap3A_337, %swap3A_338], %get3A_336 {add = true, strides = array<i32>} : memref<512x64xf32, #tpu.memory_space<vmem>>, vector<16xf32>,
        %scan3A_340 = arith.constant 6 : i32
        %scan3A_341 = arith.addi %scan3A_157, %scan3A_340 : i32
        %mul3A_342 = arith.constant 1 : i32
        %mul3A_343 = arith.muli %scan3A_341, %mul3A_342 : i32
        %add3A_344 = arith.constant 0 : i32
        %add3A_345 = arith.addi %add3A_344, %mul3A_343 : i32
        %add3A_346 = arith.addi %mul3A_144, %add3A_345 : i32
        %get3A_347 = arith.index_cast %add3A_345 : i32 to index
        %get3A_348 = arith.constant 0 : index
        %get3A_349 = tpu.vector_load %arg10[%get3A_347, %get3A_348] {strides = array<i32>} : memref<128x64xf32, #tpu.memory_space<vmem>>, vector<16xf32>,
        %swap3A_350 = arith.index_cast %add3A_346 : i32 to index
        %swap3A_351 = arith.constant 0 : index
        %swap3A_352 = tpu.vector_load %arg6[%swap3A_350, %swap3A_351] {strides = array<i32>} : memref<512x64xf32, #tpu.memory_space<vmem>>, vector<16xf32>,
        tpu.vector_store %arg6[%swap3A_350, %swap3A_351], %get3A_349 {add = true, strides = array<i32>} : memref<512x64xf32, #tpu.memory_space<vmem>>, vector<16xf32>,
        %get3A_353 = arith.index_cast %add3A_345 : i32 to index
        %get3A_354 = arith.constant 16 : index
        %get3A_355 = tpu.vector_load %arg10[%get3A_353, %get3A_354] {strides = array<i32>} : memref<128x64xf32, #tpu.memory_space<vmem>>, vector<16xf32>,
        %swap3A_356 = arith.index_cast %add3A_346 : i32 to index
        %swap3A_357 = arith.constant 16 : index
        %swap3A_358 = tpu.vector_load %arg6[%swap3A_356, %swap3A_357] {strides = array<i32>} : memref<512x64xf32, #tpu.memory_space<vmem>>, vector<16xf32>,
        tpu.vector_store %arg6[%swap3A_356, %swap3A_357], %get3A_355 {add = true, strides = array<i32>} : memref<512x64xf32, #tpu.memory_space<vmem>>, vector<16xf32>,
        %get3A_359 = arith.index_cast %add3A_345 : i32 to index
        %get3A_360 = arith.constant 32 : index
        %get3A_361 = tpu.vector_load %arg10[%get3A_359, %get3A_360] {strides = array<i32>} : memref<128x64xf32, #tpu.memory_space<vmem>>, vector<16xf32>,
        %swap3A_362 = arith.index_cast %add3A_346 : i32 to index
        %swap3A_363 = arith.constant 32 : index
        %swap3A_364 = tpu.vector_load %arg6[%swap3A_362, %swap3A_363] {strides = array<i32>} : memref<512x64xf32, #tpu.memory_space<vmem>>, vector<16xf32>,
        tpu.vector_store %arg6[%swap3A_362, %swap3A_363], %get3A_361 {add = true, strides = array<i32>} : memref<512x64xf32, #tpu.memory_space<vmem>>, vector<16xf32>,
        %get3A_365 = arith.index_cast %add3A_345 : i32 to index
        %get3A_366 = arith.constant 48 : index
        %get3A_367 = tpu.vector_load %arg10[%get3A_365, %get3A_366] {strides = array<i32>} : memref<128x64xf32, #tpu.memory_space<vmem>>, vector<16xf32>,
        %swap3A_368 = arith.index_cast %add3A_346 : i32 to index
        %swap3A_369 = arith.constant 48 : index
        %swap3A_370 = tpu.vector_load %arg6[%swap3A_368, %swap3A_369] {strides = array<i32>} : memref<512x64xf32, #tpu.memory_space<vmem>>, vector<16xf32>,
        tpu.vector_store %arg6[%swap3A_368, %swap3A_369], %get3A_367 {add = true, strides = array<i32>} : memref<512x64xf32, #tpu.memory_space<vmem>>, vector<16xf32>,
        %scan3A_371 = arith.constant 7 : i32
        %scan3A_372 = arith.addi %scan3A_157, %scan3A_371 : i32
        %mul3A_373 = arith.constant 1 : i32
        %mul3A_374 = arith.muli %scan3A_372, %mul3A_373 : i32
        %add3A_375 = arith.constant 0 : i32
        %add3A_376 = arith.addi %add3A_375, %mul3A_374 : i32
        %add3A_377 = arith.addi %mul3A_144, %add3A_376 : i32
        %get3A_378 = arith.index_cast %add3A_376 : i32 to index
        %get3A_379 = arith.constant 0 : index
        %get3A_380 = tpu.vector_load %arg10[%get3A_378, %get3A_379] {strides = array<i32>} : memref<128x64xf32, #tpu.memory_space<vmem>>, vector<16xf32>,
        %swap3A_381 = arith.index_cast %add3A_377 : i32 to index
        %swap3A_382 = arith.constant 0 : index
        %swap3A_383 = tpu.vector_load %arg6[%swap3A_381, %swap3A_382] {strides = array<i32>} : memref<512x64xf32, #tpu.memory_space<vmem>>, vector<16xf32>,
        tpu.vector_store %arg6[%swap3A_381, %swap3A_382], %get3A_380 {add = true, strides = array<i32>} : memref<512x64xf32, #tpu.memory_space<vmem>>, vector<16xf32>,
        %get3A_384 = arith.index_cast %add3A_376 : i32 to index
        %get3A_385 = arith.constant 16 : index
        %get3A_386 = tpu.vector_load %arg10[%get3A_384, %get3A_385] {strides = array<i32>} : memref<128x64xf32, #tpu.memory_space<vmem>>, vector<16xf32>,
        %swap3A_387 = arith.index_cast %add3A_377 : i32 to index
        %swap3A_388 = arith.constant 16 : index
        %swap3A_389 = tpu.vector_load %arg6[%swap3A_387, %swap3A_388] {strides = array<i32>} : memref<512x64xf32, #tpu.memory_space<vmem>>, vector<16xf32>,
        tpu.vector_store %arg6[%swap3A_387, %swap3A_388], %get3A_386 {add = true, strides = array<i32>} : memref<512x64xf32, #tpu.memory_space<vmem>>, vector<16xf32>,
        %get3A_390 = arith.index_cast %add3A_376 : i32 to index
        %get3A_391 = arith.constant 32 : index
        %get3A_392 = tpu.vector_load %arg10[%get3A_390, %get3A_391] {strides = array<i32>} : memref<128x64xf32, #tpu.memory_space<vmem>>, vector<16xf32>,
        %swap3A_393 = arith.index_cast %add3A_377 : i32 to index
        %swap3A_394 = arith.constant 32 : index
        %swap3A_395 = tpu.vector_load %arg6[%swap3A_393, %swap3A_394] {strides = array<i32>} : memref<512x64xf32, #tpu.memory_space<vmem>>, vector<16xf32>,
        tpu.vector_store %arg6[%swap3A_393, %swap3A_394], %get3A_392 {add = true, strides = array<i32>} : memref<512x64xf32, #tpu.memory_space<vmem>>, vector<16xf32>,
        %get3A_396 = arith.index_cast %add3A_376 : i32 to index
        %get3A_397 = arith.constant 48 : index
        %get3A_398 = tpu.vector_load %arg10[%get3A_396, %get3A_397] {strides = array<i32>} : memref<128x64xf32, #tpu.memory_space<vmem>>, vector<16xf32>,
        %swap3A_399 = arith.index_cast %add3A_377 : i32 to index
        %swap3A_400 = arith.constant 48 : index
        %swap3A_401 = tpu.vector_load %arg6[%swap3A_399, %swap3A_400] {strides = array<i32>} : memref<512x64xf32, #tpu.memory_space<vmem>>, vector<16xf32>,
        tpu.vector_store %arg6[%swap3A_399, %swap3A_400], %get3A_398 {add = true, strides = array<i32>} : memref<512x64xf32, #tpu.memory_space<vmem>>, vector<16xf32>,
      }
      %scan3A_149 = arith.constant 128 : i32
      %add3A_150 = arith.constant 4 : i32
      %add3A_151 = arith.addi %add3A_129, %add3A_150 : i32
      %lt3A_152 = arith.constant 200 : i32
      %lt3A_153 = arith.cmpi slt, %add3A_151, %lt3A_152 : i32
      %convert_element_type3A_154 = arith.extui %lt3A_153 : i1 to i32
      %cond3A_155 = arith.constant 0 : i32
      %cond3A_156 = arith.cmpi ne, %convert_element_type3A_154, %cond3A_155 : i32
      scf.if %cond3A_156 {
        %shift_right_arithmetic3A_157 = arith.constant 2 : i32
        %shift_right_arithmetic3A_158 = arith.shrsi %add3A_151, %shift_right_arithmetic3A_157 : i32
        %and3A_159 = arith.constant 3 : i32
        %and3A_160 = arith.andi %add3A_151, %and3A_159 : i32
        %mul3A_161 = arith.constant 128 : i32
        %mul3A_162 = arith.muli %and3A_160, %mul3A_161 : i32
        %dma_start3A_163 = tpu.memref_slice %arg5[%shift_right_arithmetic3A_158, %mul3A_162] : memref<50x512xi32, #tpu.memory_space<vmem>> -> memref<1x128xi32, #tpu.memory_space<vmem>>
        %dma_start3A_164 = tpu.memref_squeeze %dma_start3A_163 : memref<1x128xi32, #tpu.memory_space<vmem>> -> memref<128xi32, #tpu.memory_space<vmem>>
        %dma_start3A_165 = arith.constant 0 : i32
        %dma_start3A_166 = arith.constant 0 : i32
        %dma_start3A_167 = tpu.memref_slice %arg3[%dma_start3A_165, %dma_start3A_166] : memref<1000000x64xf32, #tpu.memory_space<hbm>> -> memref<1000000x64xf32, #tpu.memory_space<hbm>>
        tpu.enqueue_indirect_dma source(%dma_start3A_167 : memref<1000000x64xf32, #tpu.memory_space<hbm>>) target(%arg10 : memref<128x64xf32, #tpu.memory_space<vmem>>) offsets(%dma_start3A_164 : memref<128xi32, #tpu.memory_space<vmem>>) semaphore(%arg14 : memref<!tpu.dma_semaphore, #tpu.memory_space<semaphore_mem>>)
      } else {
      }
    }
    %scan3A_39 = arith.constant 50 : i32
    %mul3A_40 = arith.constant 512 : i32
    %mul3A_41 = arith.muli %add3A, %mul3A_40 : i32
    "tpu.region"() ({
      %run_scoped3A = tpu.sem_alloc : memref<!tpu.dma_semaphore, #tpu.memory_space<semaphore_mem>>
      %dma_start3A_42 = arith.constant 0 : i32
      %dma_start3A_43 = tpu.memref_slice %arg4[%mul3A_41, %dma_start3A_42] : memref<16384x64xf32, #tpu.memory_space<hbm>> -> memref<512x64xf32, #tpu.memory_space<hbm>>
      %dma_start3A_44 = arith.constant 0 : i32
      %dma_start3A_45 = tpu.memref_slice %arg4[%mul3A_41, %dma_start3A_44] : memref<16384x64xf32, #tpu.memory_space<hbm>> -> memref<512x64xf32, #tpu.memory_space<hbm>>
      tpu.enqueue_dma source(%arg6 : memref<512x64xf32, #tpu.memory_space<vmem>>) target(%dma_start3A_45 : memref<512x64xf32, #tpu.memory_space<hbm>>) target_semaphore(%run_scoped3A : memref<!tpu.dma_semaphore, #tpu.memory_space<semaphore_mem>>)
      %dma_wait3A = arith.constant 0 : i32
      %dma_wait3A_46 = tpu.memref_slice %arg4[%mul3A_41, %dma_wait3A] : memref<16384x64xf32, #tpu.memory_space<hbm>> -> memref<512x64xf32, #tpu.memory_space<hbm>>
      %dma_wait3A_47 = arith.constant 0 : i32
      %dma_wait3A_48 = tpu.memref_slice %arg4[%mul3A_41, %dma_wait3A_47] : memref<16384x64xf32, #tpu.memory_space<hbm>> -> memref<512x64xf32, #tpu.memory_space<hbm>>
      tpu.wait_dma2 semaphore(%run_scoped3A : memref<!tpu.dma_semaphore, #tpu.memory_space<semaphore_mem>>) src(%arg6 : memref<512x64xf32, #tpu.memory_space<vmem>>) dst(%dma_wait3A_48 : memref<512x64xf32, #tpu.memory_space<hbm>>)
      tpu.yield
    }) : () -> ()
    return
  }
}

</mosaic_0001>

<sc_bundles>
// kernel: _run.3.cloned.1.call-start
scs
__scs_entry_jumppad:
0x0: {  	(pc) =	sbr.rel $0x88, $3  }
0x1: {  	(tag) =	ssettag $0x0;
	lr =	simm.s32 $0x1  }
0x2: {  	[smem:$0x3F9F] =	sst lr;
	_ =	strace $0xD0000000  }
0x3: {  	_ = 	snop  }
0x4: {  	_ = 	snop  }
0x5: {  	_ = 	snop  }
0x6: {  	_ = 	snop  }
0x7: {  	_ = 	snop  }
__scs_overlays_trampoline_lowered:
0x8: {  	[smem:$0x3FAE] =	sst s0  }
0x9: {  	[smem:$0x3FAF] =	sst s1  }
0xa: {  	[smem:$0x3FB0] =	sst s2  }
0xb: {  	[smem:$0x3FB1] =	sst s3  }
0xc: {  	[smem:$0x3FB2] =	sst s4  }
0xd: {  	[smem:$0x3FB3] =	sst s5  }
0xe: {  	[smem:$0x3FB4] =	sst s6  }
0xf: {  	[smem:$0x3FB5] =	sst s7  }
0x10: {  	[smem:$0x3FB6] =	sst s8  }
0x11: {  	[smem:$0x3FB7] =	sst s9;
	s0 =	simm.s32 @!p0 $0x0  }
0x12: {  	s1 =	sld [smem:$0x3F9D];
	s0 =	simm.s32 @p0 $0x1  }
0x13: {  	[smem:$0x3FB8] =	sst s0;
	s0 =	simm.s32 @!p1 $0x0  }
0x14: {  	s2 =	sld [smem:$0x3F9C];
	s0 =	simm.s32 @p1 $0x1  }
0x15: {  	[smem:$0x3FB9] =	sst s0;
	s0 =	simm.s32 @!p2 $0x0  }
0x16: {  	s3 =	sld [smem:$0x3FDB];
	s0 =	simm.s32 @p2 $0x1  }
0x17: {  	s4 =	simm.s32 $0x1BF5;
	[smem:$0x3FBB] =	sst s0  }
0x18: {  	s0 =	sld [smem:$0x3F9E];
	_ =	swait.ge [sflag:s4], $0x0  }
0x19: {  	s7 =	sld [smem:$0x3F9F]  }
0x1a: {  	s8 =	sadd.s32 $0xFFFFE003, lr  }
0x1b: {  	s9 =	sadd.s32 $0xFFFFFEF7, lr;
	s5 =	simm.s32 $0xFFFFFFFF;
	p2 =	slt.u32 s8, $0xFFFFF086  }
0x1c: {  	p1 =	slt.u32 s9, $0xF7A;
	s5 =	simm.s32 @!p2 $0x0  }
0x1d: {  	s5 =	simm.s32 @p1 $0x1;
	p0 =	seq.s32 s7, s2  }
0x1e: {  	s7 =	smul.u32 @!p0 $0xF7A, s2;
	p2 =	seq.s32 @!p0 s5, $0x0  }
0x1f: {  	s9 =	smul.u32 $0xF7A, s1;
	s8 =	simm.s32 @!p0 $0x1BF5;
	p2 =	por !p2, p0  }
0x20: {  	[sflag:s8] =	ssyncset.s32 @!p0 $0xFFFFF086;
	s6 =	sadd.s32 @!p0 s3, s7;
	s7 =	simm.s32 @!p0 $0x108  }
0x21: {  	s3 =	sadd.s32 s3, s9;
	s6 =	sadd.s32 @!p0 $0x88, s6;
	s7 =	simm.s32 @p2 $0x1082  }
0x22: {  	[simem:s7], [sflag:s8] =	dma.local @!p0 [hbm:s6], $0xF7A  }
0x23: {  	s9 =	sor.u32 $0xD0000000, s2;
	s6 =	simm.s32 $0x108;
	_ =	swait.ge @!p0 [sflag:s8], $0x0  }
0x24: {  	s3 =	sadd.s32 $0x88, s3;
	s6 =	simm.s32 @!p1 $0x1082;
	[sflag:s4] =	ssyncset.s32 $0xFFFFF086  }
0x25: {  	[simem:s6], [sflag:s4] =	dma.local [hbm:s3], $0xF7A  }
0x26: {  	[smem:$0x3F9F] =	sst s1;
	(tag) =	ssettag s2;
	_ =	strace s9  }
0x27: {  	s1 =	sld [smem:$0x3FAF]  }
0x28: {  	s2 =	sld [smem:$0x3FB0]  }
0x29: {  	s4 =	sld [smem:$0x3FB2]  }
0x2a: {  	p0 =	seq.s32 s5, $0x0;
	s5 =	sld [smem:$0x3FB3]  }
0x2b: {  	s6 =	sld [smem:$0x3FB4]  }
0x2c: {  	s7 =	sld [smem:$0x3FB5]  }
0x2d: {  	s3 =	simm.s32 $0x108;
	s8 =	sld [smem:$0x3FB6]  }
0x2e: {  	s3 =	simm.s32 @!p0 $0x1082;
	s9 =	sld [smem:$0x3FB7]  }
0x2f: {  	lr =	sadd.s32 s0, s3;
	s0 =	sld [smem:$0x3FAE]  }
0x30: {  	s3 =	sld [smem:$0x3FB1]  }
0x31: {  	[smem:$0x3FBA] =	sst s10  }
0x32: {  	s10 =	sld [smem:$0x3FB8];
	_ =	sdelay $0x3  }
0x33: {  	p0 =	seq.s32 s10, $0x1;
	s10 =	sld [smem:$0x3FBA];
	_ =	sdelay $0x3  }
0x34: {  	[smem:$0x3FBA] =	sst s10  }
0x35: {  	s10 =	sld [smem:$0x3FB9];
	_ =	sdelay $0x3  }
0x36: {  	p1 =	seq.s32 s10, $0x1;
	s10 =	sld [smem:$0x3FBA];
	_ =	sdelay $0x3  }
0x37: {  	[smem:$0x3FBA] =	sst s10  }
0x38: {  	s10 =	sld [smem:$0x3FBB]  }
0x39: {  	_ = 	snop;
	(pc) =	sbr.ind lr, $3  }
0x3a: {  	_ = 	snop  }
0x3b: {  	_ = 	snop  }
0x3c: {  	p2 =	seq.s32 s10, $0x1;
	s10 =	sld [smem:$0x3FBA]  }
0x3d: {  	_ =	shalt  }
0x3e: {  	_ =	shalt  }
0x3f: {  	_ =	shalt  }
0x40: {  	_ =	shalt  }
0x41: {  	_ =	shalt  }
0x42: {  	_ =	shalt  }
0x43: {  	_ =	shalt  }
0x44: {  	_ =	shalt  }
0x45: {  	_ =	shalt  }
0x46: {  	_ =	shalt  }
0x47: {  	_ =	shalt  }
0x48: {  	_ =	shalt  }
0x49: {  	_ =	shalt  }
0x4a: {  	_ =	shalt  }
0x4b: {  	_ =	shalt  }
0x4c: {  	_ =	shalt  }
0x4d: {  	_ =	shalt  }
0x4e: {  	_ =	shalt  }
0x4f: {  	_ =	shalt  }
0x50: {  	_ =	shalt  }
0x51: {  	_ =	shalt  }
0x52: {  	_ =	shalt  }
0x53: {  	_ =	shalt  }
0x54: {  	_ =	shalt  }
0x55: {  	_ =	shalt  }
0x56: {  	_ =	shalt  }
0x57: {  	_ =	shalt  }
0x58: {  	_ =	shalt  }
0x59: {  	_ =	shalt  }
0x5a: {  	_ =	shalt  }
0x5b: {  	_ =	shalt  }
0x5c: {  	_ =	shalt  }
0x5d: {  	_ =	shalt  }
0x5e: {  	_ =	shalt  }
0x5f: {  	_ =	shalt  }
0x60: {  	_ =	shalt  }
0x61: {  	_ =	shalt  }
0x62: {  	_ =	shalt  }
0x63: {  	_ =	shalt  }
0x64: {  	_ =	shalt  }
0x65: {  	_ =	shalt  }
0x66: {  	_ =	shalt  }
0x67: {  	_ =	shalt  }
0x68: {  	_ =	shalt  }
0x69: {  	_ =	shalt  }
0x6a: {  	_ =	shalt  }
0x6b: {  	_ =	shalt  }
0x6c: {  	_ =	shalt  }
0x6d: {  	_ =	shalt  }
0x6e: {  	_ =	shalt  }
0x6f: {  	_ =	shalt  }
0x70: {  	_ =	shalt  }
0x71: {  	_ =	shalt  }
0x72: {  	_ =	shalt  }
0x73: {  	_ =	shalt  }
0x74: {  	_ =	shalt  }
0x75: {  	_ =	shalt  }
0x76: {  	_ =	shalt  }
0x77: {  	_ =	shalt  }
0x78: {  	_ =	shalt  }
0x79: {  	_ =	shalt  }
0x7a: {  	_ =	shalt  }
0x7b: {  	_ =	shalt  }
0x7c: {  	_ =	shalt  }
0x7d: {  	_ =	shalt  }
0x7e: {  	_ =	shalt  }
0x7f: {  	_ =	shalt  }
0x80: {  	_ =	shalt  }
0x81: {  	_ =	shalt  }
0x82: {  	_ =	shalt  }
0x83: {  	_ =	shalt  }
0x84: {  	_ =	shalt  }
0x85: {  	_ =	shalt  }
0x86: {  	_ =	shalt  }
0x87: {  	_ =	shalt  }
.Lfunc_end0:
.L_simem_size_0:
called_computation_lowered:
.L_overlay_start_0:
0x88: {  	s2 =	sld [smem:$0x3FD9]  }
0x89: {  	s3 =	sld [smem:$0x3FFE];
	_ =	sdelay $0x1  }
0x8a: {  	s1 =	srdreg.scid  }
0x8b: {  	s0 =	sand.u32 $0x1, s1  }
0x8c: {  	s17 =	sshll.u32 s0, $0xA;
	s2 =	sadd.s32 s3, s2  }
0x8d: {  	s2 =	sadd.s32 s2, s17  }
0x8e: {  	[smem:$0x3FC6] =	sst s2  }
0x8f: {  	_ = 	snop  }
0x90: {  	s2 =	sld [smem:$0x3FD0];
	(tm) =	ssettm $0x1  }
0x91: {  	s18 =	sld [smem:$0x3FFB];
	_ =	sdelay $0x3  }
0x92: {  	_ =	strace s18  }
0x93: {  	s3 =	sld [smem:$0x3FFC];
	_ =	sdelay $0x3  }
0x94: {  	_ =	strace s3  }
0x95: {  	s3 =	sld [smem:$0x3FFD];
	_ =	sdelay $0x3  }
0x96: {  	_ =	strace s3  }
0x97: {  	_ =	strace $0x8FFFFFFF  }
0x98: {  	s19 =	sld [smem:$0x3FDB];
	_ =	sdelay $0x1  }
0x99: {  	s4 =	simm.s32 $_scs_section_size  }
0x9a: {  	s5 =	simm.s32 $_size__tile_overlayer_lowered;
	s6 =	simm.s32 $_tile_overlayer_lowered  }
0x9b: {  	s22 =	simm.s32 $0x1BFF;
	s21 =	sshll.u32 s6, $0x1;
	s3 =	sadd.s32 s4, s19  }
0x9c: {  	s7 =	simm.s32 $0x0;
	s20 =	sshll.u32 s5, $0x1;
	s5 =	sadd.s32 s21, s3  }
0x9d: {  	[timem:s7], [sflag:s22] =	dma.local [hbm:s5], s20  }
0x9e: {  	_ =	swait.ge [sflag:s22], s20  }
0x9f: {  	s4 =	ssub.s32 $0x0, s20;
	[sflag:s22] =	ssyncset.done $0x0  }
0xa0: {  	[sflag:s22] =	ssyncadd.s32 s4;
	_ =	sdelay $0x1  }
0xa1: {  	s23 =	simm.s32 $0x1B8B  }
0xa2: {  	_ =	swait.ge [sflag:s23], $0x1  }
0xa3: {  	[sflag:s23] =	ssyncset.done $0x0  }
0xa4: {  	s25 =	simm.s32 $0x1B8E;
	s24 =	sld [smem:$0x3FFE];
	[sflag:s23] =	ssyncadd.s32 $0xFFFFFFFF  }
0xa5: {  	s26 =	simm.s32 $execute0_lowered;
	[smem:$0x3FD2] =	sst s25  }
0xa6: {  	s5 =	sshll.u32 s26, $0x1;
	_ =	strace $0x80000046;
	[dreg:$0x1] =	wrdreg $0xFFFFFFFF  }
0xa7: {  	s28 =	simm.s32 $_size_execute0_lowered;
	s3 =	sadd.s32 s3, s5;
	[dreg:$0x0] =	wrdreg $0x0  }
0xa8: {  	s5 =	sshll.u32 s28, $0x1;
	[dreg:$0x2] =	wrdreg s3  }
0xa9: {  	[dreg:$0x3] =	wrdreg s5  }
0xaa: {  	[dreg:$0x4] =	wrdreg $0xC0  }
0xab: {  	_ =	task [dreg:s7], $0x5FFFF  }
0xac: {  	[dreg:$0x1] =	wrdreg $0xFFFFFFFF  }
0xad: {  	[dreg:$0x0] =	wrdreg $0x60  }
0xae: {  	[dreg:$0x2] =	wrdreg s24  }
0xaf: {  	[dreg:$0x3] =	wrdreg s2  }
0xb0: {  	[dreg:$0x4] =	wrdreg $0x9  }
0xb1: {  	_ =	task.clear_ibuf [dreg:s7], $0x5FFFF;
	_ =	strace $0x90000046  }
0xb2: {  	s29 =	simm.s32 $0x9;
	_ =	strace $0x80000048  }
0xb3: {  	_ =	swait.ge [sflag:s29], $0x1  }
0xb4: {  	[sflag:s29] =	ssyncadd.s32 $0xFFFFFFFF  }
0xb5: {  	_ =	strace $0x90000048  }
0xb6: {  	_ =	sfence  }
0xb7: {  	s30 =	sld [smem:$0x0];
	_ =	sdelay $0x2  }
0xb8: {  	s31 =	sshll.u32 s1, $0xD;
	s1 =	sshrl.u32 s1, $0x2  }
0xb9: {  	s3 =	sand.u32 $0x4000, s31;
	s1 =	sadd.s32 s1, s30  }
0xba: {  	s0 =	sor.u32 s3, s0;
	s1 =	sshll.u32 s1, $0x11  }
0xbb: {  	s0 =	sor.u32 s1, s0  }
0xbc: {  	s0 =	sadd.s32 $0x8F2B, s0  }
0xbd: {  	[sflag:s0] =	ssyncadd.remote.s32 $0x1  }
0xbe: {  	_ =	sfence.sel $0xFFFF  }
0xbf: {  	[dreg:$0x0] =	wrdreg $0xFFFFFFFF;
	(pc) =	sbr.abs _section_cstart, $3  }
0xc0: {  	[dreg:$0x1] =	wrdreg $0xFFFFFFFF  }
0xc1: {  	_ =	task.clear_ibuf [dreg:s7], $0x2FFFF;
	_ =	strace $0x9FFFFFFF  }
0xc2: {  	(tm) =	ssettm $0x7FFFFFFF  }
0xc3: {  	_ =	shalt  }
tec
execute0_lowered:
.L_overlay_start_1:
0x0: {  	(tag) =	ssettag $0x1  }
0x1: {  	s3 =	rddreg [dreg:$0x0]  }
0x2: {  	s5 =	rddreg [dreg:$0x1];
	s2 =	srdreg.scid  }
0x3: {  	s0 =	rddreg [dreg:$0x2];
	s1 =	stileid.u32;
	s9 =	simm.s32 $0x5  }
0x4: {  	s10 =	simm.s32 $0x80;
	s11 =	simm.s32 $0xE400;
	s12 =	simm.s32 $0x10400  }
0x5: {  	s13 =	simm.s32 $0x100;
	s14 =	simm.s32 $0x12400;
	s15 =	simm.s32 $0x180  }
0x6: {  	s16 =	simm.s32 $0x14400;
	s17 =	simm.s32 $0x1;
	s18 =	simm.s32 $0x2  }
0x7: {  	s19 =	simm.s32 $0x3;
	s20 =	simm.s32 $0x4;
	s21 =	simm.s32 $0x6400  }
0x8: {  	s22 =	simm.s32 $0x0;
	s4 =	sand.u32 $0x1, s2;
	s2 =	simm.s32 $0x0  }
0x9: {  	s6 =	sshll.u32 s1, $0xA;
	s7 =	sshll.u32 s4, $0x9;
	[smem:$0x7FF] =	sst s2  }
.Ltmp0:
0xa: {  	s4 =	ssub.s32 $0x2, s4;
	s6 =	sor.u32 s7, s6;
	(pc) =	sbr.rel .LBB2_1-.Ltmp0, $4  }
0xb: {  	_ =	strace $0x80000047;
	s8 =	sshrl.u32 s4, $0x1;
	s7 =	sshrl.u32 s6, $0x3  }
0xc: {  	s8 =	ssub.s32 s4, s8;
	s6 =	sshll.u32 s6, $0x3;
	s7 =	sadd.s32 s7, s3  }
0xd: {  	s3 =	sadd.s32 $0xF42A00, s3;
	s5 =	sadd.s32 s5, s6;
	s6 =	smax.u32 s8, $0x1  }
0xe: {  	v0 =	vimm.f32 $0.0e+00;
	s8 =	simm.s32 $0x4000;
	s4 =	sadd.s32 $0x600, s7;
	s7 =	simm.s32 $0x200  }
.LBB2_14:
0xf: {  	s22 =	sadd.s32 $0x1, s22  }
0x10: {  	p0 =	sne.s32 s22, s6  }
.Ltmp1:
0x11: {  	_ = 	snop;
	(pc) =	sbr.rel @!p0 .LBB2_15-.Ltmp1, $4  }
0x12: {  	[hbm4b:s5+s2] =	stream.linear.scatter [tilespmem:s21], [sflag:$0x5], $0x8000, $0x38;
	[tilespmem:$0x16400] =	vst v63  }
0x13: {  	_ =	swait.ge [sflag:s9], $0x8000  }
0x14: {  	[sflag:s9] =	ssyncset.done $0x0  }
0x15: {  	[sflag:s9] =	ssyncadd.s32 $0xFFFF8000  }
.LBB2_1:
0x16: {  	[tilespmem:s2], [sflag:$0x5] =	stream.strided.gather [hbm4b:s4+s7], $0x6400, s8, s7, $0x38;
	[tilespmem:$0x16400] =	vst v63  }
0x17: {  	_ =	swait.ge [sflag:s9], $0x6400  }
0x18: {  	[sflag:s9] =	ssyncset.done $0x0  }
0x19: {  	[sflag:s9] =	ssyncadd.s32 $0xFFFF9C00  }
0x1a: {  	[tilespmem:s11], [sflag:$0x1] =	stream.indirect.gather [hbm4b:s3+s10], $0x40, s2, s10, $0xb8;
	[tilespmem:$0x16400] =	vst v63  }
0x1b: {  	_ = 	snop  }
0x1c: {  	[tilespmem:s12], [sflag:$0x2] =	stream.indirect.gather [hbm4b:s3+s10], $0x40, s10, s10, $0xb8;
	[tilespmem:$0x16400] =	vst v63  }
0x1d: {  	_ = 	snop  }
0x1e: {  	[tilespmem:s14], [sflag:$0x3] =	stream.indirect.gather [hbm4b:s3+s10], $0x40, s13, s10, $0xb8;
	[tilespmem:$0x16400] =	vst v63  }
0x1f: {  	s23 =	simm.s32 $0x6480  }
0x20: {  	[tilespmem:s16], [sflag:$0x4] =	stream.indirect.gather [hbm4b:s3+s10], $0x40, s15, s10, $0xb8;
	[tilespmem:$0x16400] =	vst v63  }
0x21: {  	[tilespmem:s23+$0xFFFFFF80] =	vst v0  }
0x22: {  	[tilespmem:s23+$0x70] =	vst v0  }
0x23: {  	[tilespmem:s23+$0x60] =	vst v0  }
0x24: {  	[tilespmem:s23+$0x50] =	vst v0  }
0x25: {  	[tilespmem:s23+$0x40] =	vst v0  }
0x26: {  	[tilespmem:s23+$0x30] =	vst v0  }
0x27: {  	[tilespmem:s23+$0x20] =	vst v0  }
0x28: {  	[tilespmem:s23+$0x10] =	vst v0  }
0x29: {  	[tilespmem:s23+$0x0] =	vst v0  }
0x2a: {  	[tilespmem:s23+$0xFFFFFFF0] =	vst v0  }
0x2b: {  	[tilespmem:s23+$0xFFFFFFE0] =	vst v0  }
0x2c: {  	[tilespmem:s23+$0xFFFFFFD0] =	vst v0  }
0x2d: {  	[tilespmem:s23+$0xFFFFFFC0] =	vst v0  }
0x2e: {  	[tilespmem:s23+$0xFFFFFFB0] =	vst v0  }
0x2f: {  	s24 =	simm.s32 $0x0;
	[tilespmem:s23+$0xFFFFFFA0] =	vst v0  }
.LBB2_2:
0x30: {  	s24 =	sadd.s32 $0x4, s24;
	[tilespmem:s23+$0xFFFFFF90] =	vst v0;
	s23 =	sadd.s32 $0x100, s23  }
0x31: {  	[tilespmem:s23+$0xFFFFFF80] =	vst v0;
	p0 =	slt.u32 s24, $0x1FC  }
0x32: {  	[tilespmem:s23+$0x70] =	vst v0  }
0x33: {  	[tilespmem:s23+$0x60] =	vst v0  }
0x34: {  	[tilespmem:s23+$0x50] =	vst v0  }
0x35: {  	[tilespmem:s23+$0x40] =	vst v0  }
0x36: {  	[tilespmem:s23+$0x30] =	vst v0  }
0x37: {  	[tilespmem:s23+$0x20] =	vst v0  }
0x38: {  	[tilespmem:s23+$0x10] =	vst v0  }
0x39: {  	[tilespmem:s23+$0x0] =	vst v0  }
0x3a: {  	[tilespmem:s23+$0xFFFFFFF0] =	vst v0  }
.Ltmp2:
0x3b: {  	[tilespmem:s23+$0xFFFFFFE0] =	vst v0;
	(pc) =	sbr.rel @p0 .LBB2_2-.Ltmp2, $4  }
0x3c: {  	[tilespmem:s23+$0xFFFFFFD0] =	vst v0  }
0x3d: {  	[tilespmem:s23+$0xFFFFFFC0] =	vst v0  }
0x3e: {  	[tilespmem:s23+$0xFFFFFFB0] =	vst v0  }
0x3f: {  	[tilespmem:s23+$0xFFFFFFA0] =	vst v0  }
0x40: {  	[tilespmem:s23+$0xFFFFFF90] =	vst v0;
	s23 =	simm.s32 $0x0  }
.LBB2_4:
0x41: {  	_ =	swait.ge [sflag:s17], $0x2000  }
0x42: {  	[sflag:s17] =	ssyncset.done $0x0  }
0x43: {  	s26 =	simm.s32 $0x0;
	[sflag:s17] =	ssyncadd.s32 $0xFFFFE000  }
0x44: {  	v1 =	vld [tilespmem:s26+$0xE5F0]  }
0x45: {  	v2 =	vld [tilespmem:s26+$0xE400]  }
0x46: {  	v3 =	vld [tilespmem:s26+$0xE410]  }
0x47: {  	v4 =	vld [tilespmem:s26+$0xE420]  }
0x48: {  	v5 =	vld [tilespmem:s26+$0xE430]  }
0x49: {  	v6 =	vld [tilespmem:s26+$0xE440]  }
0x4a: {  	v7 =	vld [tilespmem:s26+$0xE450]  }
0x4b: {  	v8 =	vld [tilespmem:s26+$0xE460]  }
0x4c: {  	v9 =	vld [tilespmem:s26+$0xE470]  }
0x4d: {  	v10 =	vld [tilespmem:s26+$0xE480]  }
0x4e: {  	v11 =	vld [tilespmem:s26+$0xE490]  }
0x4f: {  	v12 =	vld [tilespmem:s26+$0xE4A0]  }
0x50: {  	v13 =	vld [tilespmem:s26+$0xE4B0]  }
0x51: {  	v14 =	vld [tilespmem:s26+$0xE4C0]  }
0x52: {  	v15 =	vld [tilespmem:s26+$0xE4D0]  }
0x53: {  	v16 =	vld [tilespmem:s26+$0xE4E0]  }
0x54: {  	v17 =	vld [tilespmem:s26+$0xE4F0]  }
0x55: {  	v18 =	vld [tilespmem:s26+$0xE500]  }
0x56: {  	v19 =	vld [tilespmem:s26+$0xE510]  }
0x57: {  	v20 =	vld [tilespmem:s26+$0xE520]  }
0x58: {  	v21 =	vld [tilespmem:s26+$0xE530]  }
0x59: {  	v22 =	vld [tilespmem:s26+$0xE540]  }
0x5a: {  	v23 =	vld [tilespmem:s26+$0xE550]  }
0x5b: {  	v24 =	vld [tilespmem:s26+$0xE560]  }
0x5c: {  	v25 =	vld [tilespmem:s26+$0xE570]  }
0x5d: {  	v26 =	vld [tilespmem:s26+$0xE580]  }
0x5e: {  	v27 =	vld [tilespmem:s26+$0xE590]  }
0x5f: {  	v28 =	vld [tilespmem:s26+$0xE5A0]  }
0x60: {  	v29 =	vld [tilespmem:s26+$0xE5B0]  }
0x61: {  	v30 =	vld [tilespmem:s26+$0xE5C0]  }
0x62: {  	v31 =	vld [tilespmem:s26+$0xE5D0]  }
0x63: {  	[tilespmem:s26+$0x65F0] =	vst.add.f32.msk $0xffff, v1  }
0x64: {  	v1 =	vld [tilespmem:s26+$0xE5E0]  }
0x65: {  	[tilespmem:s26+$0x6400] =	vst.add.f32.msk $0xffff, v2  }
0x66: {  	[tilespmem:s26+$0x6410] =	vst.add.f32.msk $0xffff, v3  }
0x67: {  	[tilespmem:s26+$0x6420] =	vst.add.f32.msk $0xffff, v4  }
0x68: {  	[tilespmem:s26+$0x6430] =	vst.add.f32.msk $0xffff, v5  }
0x69: {  	[tilespmem:s26+$0x6440] =	vst.add.f32.msk $0xffff, v6  }
0x6a: {  	[tilespmem:s26+$0x6450] =	vst.add.f32.msk $0xffff, v7  }
0x6b: {  	[tilespmem:s26+$0x6460] =	vst.add.f32.msk $0xffff, v8  }
0x6c: {  	[tilespmem:s26+$0x6470] =	vst.add.f32.msk $0xffff, v9  }
0x6d: {  	[tilespmem:s26+$0x6480] =	vst.add.f32.msk $0xffff, v10  }
0x6e: {  	[tilespmem:s26+$0x6490] =	vst.add.f32.msk $0xffff, v11  }
0x6f: {  	[tilespmem:s26+$0x64A0] =	vst.add.f32.msk $0xffff, v12  }
0x70: {  	[tilespmem:s26+$0x64B0] =	vst.add.f32.msk $0xffff, v13  }
0x71: {  	[tilespmem:s26+$0x64C0] =	vst.add.f32.msk $0xffff, v14  }
0x72: {  	[tilespmem:s26+$0x64D0] =	vst.add.f32.msk $0xffff, v15  }
0x73: {  	[tilespmem:s26+$0x64E0] =	vst.add.f32.msk $0xffff, v16  }
0x74: {  	[tilespmem:s26+$0x64F0] =	vst.add.f32.msk $0xffff, v17  }
0x75: {  	[tilespmem:s26+$0x6500] =	vst.add.f32.msk $0xffff, v18  }
0x76: {  	[tilespmem:s26+$0x6510] =	vst.add.f32.msk $0xffff, v19  }
0x77: {  	[tilespmem:s26+$0x6520] =	vst.add.f32.msk $0xffff, v20  }
0x78: {  	[tilespmem:s26+$0x6530] =	vst.add.f32.msk $0xffff, v21  }
0x79: {  	[tilespmem:s26+$0x6540] =	vst.add.f32.msk $0xffff, v22  }
0x7a: {  	[tilespmem:s26+$0x6550] =	vst.add.f32.msk $0xffff, v23  }
0x7b: {  	[tilespmem:s26+$0x6560] =	vst.add.f32.msk $0xffff, v24  }
0x7c: {  	[tilespmem:s26+$0x6570] =	vst.add.f32.msk $0xffff, v25  }
0x7d: {  	[tilespmem:s26+$0x6580] =	vst.add.f32.msk $0xffff, v26  }
0x7e: {  	[tilespmem:s26+$0x6590] =	vst.add.f32.msk $0xffff, v27  }
0x7f: {  	[tilespmem:s26+$0x65A0] =	vst.add.f32.msk $0xffff, v28  }
0x80: {  	[tilespmem:s26+$0x65B0] =	vst.add.f32.msk $0xffff, v29  }
0x81: {  	[tilespmem:s26+$0x65C0] =	vst.add.f32.msk $0xffff, v30  }
0x82: {  	s24 =	simm.s32 $0x0;
	s25 =	simm.s32 $0x800;
	[tilespmem:s26+$0x65D0] =	vst.add.f32.msk $0xffff, v31  }
.LBB2_5:
0x83: {  	s24 =	sadd.s32 $0x8, s24;
	[tilespmem:s26+$0x65E0] =	vst.add.f32.msk $0xffff, v1;
	s26 =	sshra.s32 s25, $0x2  }
0x84: {  	v1 =	vld [tilespmem:s26+$0xE5F0];
	p0 =	slt.u32 s24, $0x78  }
0x85: {  	v2 =	vld [tilespmem:s26+$0xE400]  }
0x86: {  	v3 =	vld [tilespmem:s26+$0xE410]  }
0x87: {  	v4 =	vld [tilespmem:s26+$0xE420]  }
0x88: {  	v5 =	vld [tilespmem:s26+$0xE430]  }
0x89: {  	[tilespmem:s26+$0x65F0] =	vst.add.f32.msk $0xffff, v1  }
0x8a: {  	v6 =	vld [tilespmem:s26+$0xE440]  }
0x8b: {  	v7 =	vld [tilespmem:s26+$0xE450]  }
0x8c: {  	v8 =	vld [tilespmem:s26+$0xE460]  }
0x8d: {  	v9 =	vld [tilespmem:s26+$0xE470]  }
0x8e: {  	v10 =	vld [tilespmem:s26+$0xE480]  }
0x8f: {  	v11 =	vld [tilespmem:s26+$0xE490]  }
0x90: {  	v12 =	vld [tilespmem:s26+$0xE4A0]  }
0x91: {  	v13 =	vld [tilespmem:s26+$0xE4B0]  }
0x92: {  	v14 =	vld [tilespmem:s26+$0xE4C0]  }
0x93: {  	v15 =	vld [tilespmem:s26+$0xE4D0]  }
0x94: {  	v16 =	vld [tilespmem:s26+$0xE4E0]  }
0x95: {  	v17 =	vld [tilespmem:s26+$0xE4F0]  }
0x96: {  	v18 =	vld [tilespmem:s26+$0xE500]  }
0x97: {  	v19 =	vld [tilespmem:s26+$0xE510]  }
0x98: {  	v20 =	vld [tilespmem:s26+$0xE520]  }
0x99: {  	v21 =	vld [tilespmem:s26+$0xE530]  }
0x9a: {  	v22 =	vld [tilespmem:s26+$0xE540]  }
0x9b: {  	v23 =	vld [tilespmem:s26+$0xE550]  }
0x9c: {  	v24 =	vld [tilespmem:s26+$0xE560]  }
0x9d: {  	v25 =	vld [tilespmem:s26+$0xE570]  }
0x9e: {  	v26 =	vld [tilespmem:s26+$0xE580]  }
0x9f: {  	v27 =	vld [tilespmem:s26+$0xE590]  }
0xa0: {  	v28 =	vld [tilespmem:s26+$0xE5A0]  }
0xa1: {  	v29 =	vld [tilespmem:s26+$0xE5B0]  }
0xa2: {  	v30 =	vld [tilespmem:s26+$0xE5C0]  }
0xa3: {  	v31 =	vld [tilespmem:s26+$0xE5D0]  }
0xa4: {  	v1 =	vld [tilespmem:s26+$0xE5E0]  }
0xa5: {  	[tilespmem:s26+$0x6400] =	vst.add.f32.msk $0xffff, v2  }
0xa6: {  	[tilespmem:s26+$0x6410] =	vst.add.f32.msk $0xffff, v3  }
0xa7: {  	[tilespmem:s26+$0x6420] =	vst.add.f32.msk $0xffff, v4  }
0xa8: {  	[tilespmem:s26+$0x6430] =	vst.add.f32.msk $0xffff, v5  }
0xa9: {  	[tilespmem:s26+$0x6440] =	vst.add.f32.msk $0xffff, v6  }
0xaa: {  	[tilespmem:s26+$0x6450] =	vst.add.f32.msk $0xffff, v7  }
0xab: {  	[tilespmem:s26+$0x6460] =	vst.add.f32.msk $0xffff, v8  }
0xac: {  	[tilespmem:s26+$0x6470] =	vst.add.f32.msk $0xffff, v9  }
0xad: {  	[tilespmem:s26+$0x6480] =	vst.add.f32.msk $0xffff, v10  }
0xae: {  	[tilespmem:s26+$0x6490] =	vst.add.f32.msk $0xffff, v11  }
0xaf: {  	[tilespmem:s26+$0x64A0] =	vst.add.f32.msk $0xffff, v12  }
0xb0: {  	[tilespmem:s26+$0x64B0] =	vst.add.f32.msk $0xffff, v13  }
0xb1: {  	[tilespmem:s26+$0x64C0] =	vst.add.f32.msk $0xffff, v14  }
0xb2: {  	[tilespmem:s26+$0x64D0] =	vst.add.f32.msk $0xffff, v15  }
0xb3: {  	[tilespmem:s26+$0x64E0] =	vst.add.f32.msk $0xffff, v16  }
0xb4: {  	[tilespmem:s26+$0x64F0] =	vst.add.f32.msk $0xffff, v17  }
0xb5: {  	[tilespmem:s26+$0x6500] =	vst.add.f32.msk $0xffff, v18  }
0xb6: {  	[tilespmem:s26+$0x6510] =	vst.add.f32.msk $0xffff, v19  }
0xb7: {  	[tilespmem:s26+$0x6520] =	vst.add.f32.msk $0xffff, v20  }
0xb8: {  	[tilespmem:s26+$0x6530] =	vst.add.f32.msk $0xffff, v21  }
0xb9: {  	[tilespmem:s26+$0x6540] =	vst.add.f32.msk $0xffff, v22  }
0xba: {  	[tilespmem:s26+$0x6550] =	vst.add.f32.msk $0xffff, v23  }
0xbb: {  	[tilespmem:s26+$0x6560] =	vst.add.f32.msk $0xffff, v24  }
0xbc: {  	[tilespmem:s26+$0x6570] =	vst.add.f32.msk $0xffff, v25  }
0xbd: {  	[tilespmem:s26+$0x6580] =	vst.add.f32.msk $0xffff, v26  }
.Ltmp3:
0xbe: {  	[tilespmem:s26+$0x6590] =	vst.add.f32.msk $0xffff, v27;
	(pc) =	sbr.rel @p0 .LBB2_5-.Ltmp3, $4  }
0xbf: {  	[tilespmem:s26+$0x65A0] =	vst.add.f32.msk $0xffff, v28  }
0xc0: {  	[tilespmem:s26+$0x65B0] =	vst.add.f32.msk $0xffff, v29  }
0xc1: {  	[tilespmem:s26+$0x65C0] =	vst.add.f32.msk $0xffff, v30  }
0xc2: {  	s25 =	sadd.s32 $0x800, s25;
	[tilespmem:s26+$0x65D0] =	vst.add.f32.msk $0xffff, v31  }
0xc3: {  	s24 =	sshll.u32 s23, $0xB;
	p0 =	seq.s32 s23, $0x31  }
0xc4: {  	s25 =	sshrl.u32 @!p0 s24, $0x2  }
0xc5: {  	[tilespmem:s26+$0x65E0] =	vst.add.f32.msk $0xffff, v1;
	s28 =	simm.s32 @!p0 $0x80;
	s29 =	simm.s32 @!p0 $0xE400;
	s26 =	sadd.s32 @!p0 $0x200, s25  }
0xc6: {  	[tilespmem:s29], [sflag:$0x1] =	stream.indirect.gather @!p0 [hbm4b:s3+s28], $0x40, s26, s28, $0xb8;
	[tilespmem:$0x16400] =	vst v63  }
0xc7: {  	_ =	swait.ge [sflag:s18], $0x2000  }
0xc8: {  	[sflag:s18] =	ssyncset.done $0x0  }
0xc9: {  	s26 =	simm.s32 $0x0;
	[sflag:s18] =	ssyncadd.s32 $0xFFFFE000  }
0xca: {  	v1 =	vld [tilespmem:s26+$0x105F0]  }
0xcb: {  	v2 =	vld [tilespmem:s26+$0x10400]  }
0xcc: {  	v3 =	vld [tilespmem:s26+$0x10410]  }
0xcd: {  	v4 =	vld [tilespmem:s26+$0x10420]  }
0xce: {  	v5 =	vld [tilespmem:s26+$0x10430]  }
0xcf: {  	v6 =	vld [tilespmem:s26+$0x10440]  }
0xd0: {  	v7 =	vld [tilespmem:s26+$0x10450]  }
0xd1: {  	v8 =	vld [tilespmem:s26+$0x10460]  }
0xd2: {  	v9 =	vld [tilespmem:s26+$0x10470]  }
0xd3: {  	v10 =	vld [tilespmem:s26+$0x10480]  }
0xd4: {  	v11 =	vld [tilespmem:s26+$0x10490]  }
0xd5: {  	v12 =	vld [tilespmem:s26+$0x104A0]  }
0xd6: {  	v13 =	vld [tilespmem:s26+$0x104B0]  }
0xd7: {  	v14 =	vld [tilespmem:s26+$0x104C0]  }
0xd8: {  	v15 =	vld [tilespmem:s26+$0x104D0]  }
0xd9: {  	v16 =	vld [tilespmem:s26+$0x104E0]  }
0xda: {  	v17 =	vld [tilespmem:s26+$0x104F0]  }
0xdb: {  	v18 =	vld [tilespmem:s26+$0x10500]  }
0xdc: {  	v19 =	vld [tilespmem:s26+$0x10510]  }
0xdd: {  	v20 =	vld [tilespmem:s26+$0x10520]  }
0xde: {  	v21 =	vld [tilespmem:s26+$0x10530]  }
0xdf: {  	v22 =	vld [tilespmem:s26+$0x10540]  }
0xe0: {  	v23 =	vld [tilespmem:s26+$0x10550]  }
0xe1: {  	v24 =	vld [tilespmem:s26+$0x10560]  }
0xe2: {  	v25 =	vld [tilespmem:s26+$0x10570]  }
0xe3: {  	v26 =	vld [tilespmem:s26+$0x10580]  }
0xe4: {  	v27 =	vld [tilespmem:s26+$0x10590]  }
0xe5: {  	v28 =	vld [tilespmem:s26+$0x105A0]  }
0xe6: {  	v29 =	vld [tilespmem:s26+$0x105B0]  }
0xe7: {  	v30 =	vld [tilespmem:s26+$0x105C0]  }
0xe8: {  	v31 =	vld [tilespmem:s26+$0x105D0]  }
0xe9: {  	[tilespmem:s26+$0x85F0] =	vst.add.f32.msk $0xffff, v1  }
0xea: {  	v1 =	vld [tilespmem:s26+$0x105E0]  }
0xeb: {  	[tilespmem:s26+$0x8400] =	vst.add.f32.msk $0xffff, v2  }
0xec: {  	[tilespmem:s26+$0x8410] =	vst.add.f32.msk $0xffff, v3  }
0xed: {  	[tilespmem:s26+$0x8420] =	vst.add.f32.msk $0xffff, v4  }
0xee: {  	[tilespmem:s26+$0x8430] =	vst.add.f32.msk $0xffff, v5  }
0xef: {  	[tilespmem:s26+$0x8440] =	vst.add.f32.msk $0xffff, v6  }
0xf0: {  	[tilespmem:s26+$0x8450] =	vst.add.f32.msk $0xffff, v7  }
0xf1: {  	[tilespmem:s26+$0x8460] =	vst.add.f32.msk $0xffff, v8  }
0xf2: {  	[tilespmem:s26+$0x8470] =	vst.add.f32.msk $0xffff, v9  }
0xf3: {  	[tilespmem:s26+$0x8480] =	vst.add.f32.msk $0xffff, v10  }
0xf4: {  	[tilespmem:s26+$0x8490] =	vst.add.f32.msk $0xffff, v11  }
0xf5: {  	[tilespmem:s26+$0x84A0] =	vst.add.f32.msk $0xffff, v12  }
0xf6: {  	[tilespmem:s26+$0x84B0] =	vst.add.f32.msk $0xffff, v13  }
0xf7: {  	[tilespmem:s26+$0x84C0] =	vst.add.f32.msk $0xffff, v14  }
0xf8: {  	[tilespmem:s26+$0x84D0] =	vst.add.f32.msk $0xffff, v15  }
0xf9: {  	[tilespmem:s26+$0x84E0] =	vst.add.f32.msk $0xffff, v16  }
0xfa: {  	[tilespmem:s26+$0x84F0] =	vst.add.f32.msk $0xffff, v17  }
0xfb: {  	[tilespmem:s26+$0x8500] =	vst.add.f32.msk $0xffff, v18  }
0xfc: {  	[tilespmem:s26+$0x8510] =	vst.add.f32.msk $0xffff, v19  }
0xfd: {  	[tilespmem:s26+$0x8520] =	vst.add.f32.msk $0xffff, v20  }
0xfe: {  	[tilespmem:s26+$0x8530] =	vst.add.f32.msk $0xffff, v21  }
0xff: {  	[tilespmem:s26+$0x8540] =	vst.add.f32.msk $0xffff, v22  }
0x100: {  	[tilespmem:s26+$0x8550] =	vst.add.f32.msk $0xffff, v23  }
0x101: {  	[tilespmem:s26+$0x8560] =	vst.add.f32.msk $0xffff, v24  }
0x102: {  	[tilespmem:s26+$0x8570] =	vst.add.f32.msk $0xffff, v25  }
0x103: {  	[tilespmem:s26+$0x8580] =	vst.add.f32.msk $0xffff, v26  }
0x104: {  	[tilespmem:s26+$0x8590] =	vst.add.f32.msk $0xffff, v27  }
0x105: {  	[tilespmem:s26+$0x85A0] =	vst.add.f32.msk $0xffff, v28  }
0x106: {  	[tilespmem:s26+$0x85B0] =	vst.add.f32.msk $0xffff, v29  }
0x107: {  	[tilespmem:s26+$0x85C0] =	vst.add.f32.msk $0xffff, v30  }
0x108: {  	s28 =	simm.s32 $0x0;
	s29 =	simm.s32 $0x800;
	[tilespmem:s26+$0x85D0] =	vst.add.f32.msk $0xffff, v31  }
.LBB2_7:
0x109: {  	s28 =	sadd.s32 $0x8, s28;
	[tilespmem:s26+$0x85E0] =	vst.add.f32.msk $0xffff, v1;
	s26 =	sshra.s32 s29, $0x2  }
0x10a: {  	v1 =	vld [tilespmem:s26+$0x105F0];
	p1 =	slt.u32 s28, $0x78  }
0x10b: {  	v2 =	vld [tilespmem:s26+$0x10400]  }
0x10c: {  	v3 =	vld [tilespmem:s26+$0x10410]  }
0x10d: {  	v4 =	vld [tilespmem:s26+$0x10420]  }
0x10e: {  	v5 =	vld [tilespmem:s26+$0x10430]  }
0x10f: {  	[tilespmem:s26+$0x85F0] =	vst.add.f32.msk $0xffff, v1  }
0x110: {  	v6 =	vld [tilespmem:s26+$0x10440]  }
0x111: {  	v7 =	vld [tilespmem:s26+$0x10450]  }
0x112: {  	v8 =	vld [tilespmem:s26+$0x10460]  }
0x113: {  	v9 =	vld [tilespmem:s26+$0x10470]  }
0x114: {  	v10 =	vld [tilespmem:s26+$0x10480]  }
0x115: {  	v11 =	vld [tilespmem:s26+$0x10490]  }
0x116: {  	v12 =	vld [tilespmem:s26+$0x104A0]  }
0x117: {  	v13 =	vld [tilespmem:s26+$0x104B0]  }
0x118: {  	v14 =	vld [tilespmem:s26+$0x104C0]  }
0x119: {  	v15 =	vld [tilespmem:s26+$0x104D0]  }
0x11a: {  	v16 =	vld [tilespmem:s26+$0x104E0]  }
0x11b: {  	v17 =	vld [tilespmem:s26+$0x104F0]  }
0x11c: {  	v18 =	vld [tilespmem:s26+$0x10500]  }
0x11d: {  	v19 =	vld [tilespmem:s26+$0x10510]  }
0x11e: {  	v20 =	vld [tilespmem:s26+$0x10520]  }
0x11f: {  	v21 =	vld [tilespmem:s26+$0x10530]  }
0x120: {  	v22 =	vld [tilespmem:s26+$0x10540]  }
0x121: {  	v23 =	vld [tilespmem:s26+$0x10550]  }
0x122: {  	v24 =	vld [tilespmem:s26+$0x10560]  }
0x123: {  	v25 =	vld [tilespmem:s26+$0x10570]  }
0x124: {  	v26 =	vld [tilespmem:s26+$0x10580]  }
0x125: {  	v27 =	vld [tilespmem:s26+$0x10590]  }
0x126: {  	v28 =	vld [tilespmem:s26+$0x105A0]  }
0x127: {  	v29 =	vld [tilespmem:s26+$0x105B0]  }
0x128: {  	v30 =	vld [tilespmem:s26+$0x105C0]  }
0x129: {  	v31 =	vld [tilespmem:s26+$0x105D0]  }
0x12a: {  	v1 =	vld [tilespmem:s26+$0x105E0]  }
0x12b: {  	[tilespmem:s26+$0x8400] =	vst.add.f32.msk $0xffff, v2  }
0x12c: {  	[tilespmem:s26+$0x8410] =	vst.add.f32.msk $0xffff, v3  }
0x12d: {  	[tilespmem:s26+$0x8420] =	vst.add.f32.msk $0xffff, v4  }
0x12e: {  	[tilespmem:s26+$0x8430] =	vst.add.f32.msk $0xffff, v5  }
0x12f: {  	[tilespmem:s26+$0x8440] =	vst.add.f32.msk $0xffff, v6  }
0x130: {  	[tilespmem:s26+$0x8450] =	vst.add.f32.msk $0xffff, v7  }
0x131: {  	[tilespmem:s26+$0x8460] =	vst.add.f32.msk $0xffff, v8  }
0x132: {  	[tilespmem:s26+$0x8470] =	vst.add.f32.msk $0xffff, v9  }
0x133: {  	[tilespmem:s26+$0x8480] =	vst.add.f32.msk $0xffff, v10  }
0x134: {  	[tilespmem:s26+$0x8490] =	vst.add.f32.msk $0xffff, v11  }
0x135: {  	[tilespmem:s26+$0x84A0] =	vst.add.f32.msk $0xffff, v12  }
0x136: {  	[tilespmem:s26+$0x84B0] =	vst.add.f32.msk $0xffff, v13  }
0x137: {  	[tilespmem:s26+$0x84C0] =	vst.add.f32.msk $0xffff, v14  }
0x138: {  	[tilespmem:s26+$0x84D0] =	vst.add.f32.msk $0xffff, v15  }
0x139: {  	[tilespmem:s26+$0x84E0] =	vst.add.f32.msk $0xffff, v16  }
0x13a: {  	[tilespmem:s26+$0x84F0] =	vst.add.f32.msk $0xffff, v17  }
0x13b: {  	[tilespmem:s26+$0x8500] =	vst.add.f32.msk $0xffff, v18  }
0x13c: {  	[tilespmem:s26+$0x8510] =	vst.add.f32.msk $0xffff, v19  }
0x13d: {  	[tilespmem:s26+$0x8520] =	vst.add.f32.msk $0xffff, v20  }
0x13e: {  	[tilespmem:s26+$0x8530] =	vst.add.f32.msk $0xffff, v21  }
0x13f: {  	[tilespmem:s26+$0x8540] =	vst.add.f32.msk $0xffff, v22  }
0x140: {  	[tilespmem:s26+$0x8550] =	vst.add.f32.msk $0xffff, v23  }
0x141: {  	[tilespmem:s26+$0x8560] =	vst.add.f32.msk $0xffff, v24  }
0x142: {  	[tilespmem:s26+$0x8570] =	vst.add.f32.msk $0xffff, v25  }
0x143: {  	[tilespmem:s26+$0x8580] =	vst.add.f32.msk $0xffff, v26  }
.Ltmp4:
0x144: {  	[tilespmem:s26+$0x8590] =	vst.add.f32.msk $0xffff, v27;
	(pc) =	sbr.rel @p1 .LBB2_7-.Ltmp4, $4  }
0x145: {  	[tilespmem:s26+$0x85A0] =	vst.add.f32.msk $0xffff, v28  }
0x146: {  	[tilespmem:s26+$0x85B0] =	vst.add.f32.msk $0xffff, v29  }
0x147: {  	[tilespmem:s26+$0x85C0] =	vst.add.f32.msk $0xffff, v30  }
0x148: {  	s29 =	sadd.s32 $0x800, s29;
	[tilespmem:s26+$0x85D0] =	vst.add.f32.msk $0xffff, v31  }
0x149: {  	[tilespmem:s26+$0x85E0] =	vst.add.f32.msk $0xffff, v1;
	s26 =	sadd.s32 @!p0 $0x280, s25;
	s28 =	simm.s32 @!p0 $0x80;
	s29 =	simm.s32 @!p0 $0x10400  }
0x14a: {  	[tilespmem:s29], [sflag:$0x2] =	stream.indirect.gather @!p0 [hbm4b:s3+s28], $0x40, s26, s28, $0xb8;
	[tilespmem:$0x16400] =	vst v63  }
0x14b: {  	_ =	swait.ge [sflag:s19], $0x2000  }
0x14c: {  	[sflag:s19] =	ssyncset.done $0x0  }
0x14d: {  	s26 =	simm.s32 $0x0;
	[sflag:s19] =	ssyncadd.s32 $0xFFFFE000  }
0x14e: {  	v1 =	vld [tilespmem:s26+$0x125F0]  }
0x14f: {  	v2 =	vld [tilespmem:s26+$0x12400]  }
0x150: {  	v3 =	vld [tilespmem:s26+$0x12410]  }
0x151: {  	v4 =	vld [tilespmem:s26+$0x12420]  }
0x152: {  	v5 =	vld [tilespmem:s26+$0x12430]  }
0x153: {  	v6 =	vld [tilespmem:s26+$0x12440]  }
0x154: {  	v7 =	vld [tilespmem:s26+$0x12450]  }
0x155: {  	v8 =	vld [tilespmem:s26+$0x12460]  }
0x156: {  	v9 =	vld [tilespmem:s26+$0x12470]  }
0x157: {  	v10 =	vld [tilespmem:s26+$0x12480]  }
0x158: {  	v11 =	vld [tilespmem:s26+$0x12490]  }
0x159: {  	v12 =	vld [tilespmem:s26+$0x124A0]  }
0x15a: {  	v13 =	vld [tilespmem:s26+$0x124B0]  }
0x15b: {  	v14 =	vld [tilespmem:s26+$0x124C0]  }
0x15c: {  	v15 =	vld [tilespmem:s26+$0x124D0]  }
0x15d: {  	v16 =	vld [tilespmem:s26+$0x124E0]  }
0x15e: {  	v17 =	vld [tilespmem:s26+$0x124F0]  }
0x15f: {  	v18 =	vld [tilespmem:s26+$0x12500]  }
0x160: {  	v19 =	vld [tilespmem:s26+$0x12510]  }
0x161: {  	v20 =	vld [tilespmem:s26+$0x12520]  }
0x162: {  	v21 =	vld [tilespmem:s26+$0x12530]  }
0x163: {  	v22 =	vld [tilespmem:s26+$0x12540]  }
0x164: {  	v23 =	vld [tilespmem:s26+$0x12550]  }
0x165: {  	v24 =	vld [tilespmem:s26+$0x12560]  }
0x166: {  	v25 =	vld [tilespmem:s26+$0x12570]  }
0x167: {  	v26 =	vld [tilespmem:s26+$0x12580]  }
0x168: {  	v27 =	vld [tilespmem:s26+$0x12590]  }
0x169: {  	v28 =	vld [tilespmem:s26+$0x125A0]  }
0x16a: {  	v29 =	vld [tilespmem:s26+$0x125B0]  }
0x16b: {  	v30 =	vld [tilespmem:s26+$0x125C0]  }
0x16c: {  	v31 =	vld [tilespmem:s26+$0x125D0]  }
0x16d: {  	[tilespmem:s26+$0xA5F0] =	vst.add.f32.msk $0xffff, v1  }
0x16e: {  	v1 =	vld [tilespmem:s26+$0x125E0]  }
0x16f: {  	[tilespmem:s26+$0xA400] =	vst.add.f32.msk $0xffff, v2  }
0x170: {  	[tilespmem:s26+$0xA410] =	vst.add.f32.msk $0xffff, v3  }
0x171: {  	[tilespmem:s26+$0xA420] =	vst.add.f32.msk $0xffff, v4  }
0x172: {  	[tilespmem:s26+$0xA430] =	vst.add.f32.msk $0xffff, v5  }
0x173: {  	[tilespmem:s26+$0xA440] =	vst.add.f32.msk $0xffff, v6  }
0x174: {  	[tilespmem:s26+$0xA450] =	vst.add.f32.msk $0xffff, v7  }
0x175: {  	[tilespmem:s26+$0xA460] =	vst.add.f32.msk $0xffff, v8  }
0x176: {  	[tilespmem:s26+$0xA470] =	vst.add.f32.msk $0xffff, v9  }
0x177: {  	[tilespmem:s26+$0xA480] =	vst.add.f32.msk $0xffff, v10  }
0x178: {  	[tilespmem:s26+$0xA490] =	vst.add.f32.msk $0xffff, v11  }
0x179: {  	[tilespmem:s26+$0xA4A0] =	vst.add.f32.msk $0xffff, v12  }
0x17a: {  	[tilespmem:s26+$0xA4B0] =	vst.add.f32.msk $0xffff, v13  }
0x17b: {  	[tilespmem:s26+$0xA4C0] =	vst.add.f32.msk $0xffff, v14  }
0x17c: {  	[tilespmem:s26+$0xA4D0] =	vst.add.f32.msk $0xffff, v15  }
0x17d: {  	[tilespmem:s26+$0xA4E0] =	vst.add.f32.msk $0xffff, v16  }
0x17e: {  	[tilespmem:s26+$0xA4F0] =	vst.add.f32.msk $0xffff, v17  }
0x17f: {  	[tilespmem:s26+$0xA500] =	vst.add.f32.msk $0xffff, v18  }
0x180: {  	[tilespmem:s26+$0xA510] =	vst.add.f32.msk $0xffff, v19  }
0x181: {  	[tilespmem:s26+$0xA520] =	vst.add.f32.msk $0xffff, v20  }
0x182: {  	[tilespmem:s26+$0xA530] =	vst.add.f32.msk $0xffff, v21  }
0x183: {  	[tilespmem:s26+$0xA540] =	vst.add.f32.msk $0xffff, v22  }
0x184: {  	[tilespmem:s26+$0xA550] =	vst.add.f32.msk $0xffff, v23  }
0x185: {  	[tilespmem:s26+$0xA560] =	vst.add.f32.msk $0xffff, v24  }
0x186: {  	[tilespmem:s26+$0xA570] =	vst.add.f32.msk $0xffff, v25  }
0x187: {  	[tilespmem:s26+$0xA580] =	vst.add.f32.msk $0xffff, v26  }
0x188: {  	[tilespmem:s26+$0xA590] =	vst.add.f32.msk $0xffff, v27  }
0x189: {  	[tilespmem:s26+$0xA5A0] =	vst.add.f32.msk $0xffff, v28  }
0x18a: {  	[tilespmem:s26+$0xA5B0] =	vst.add.f32.msk $0xffff, v29  }
0x18b: {  	[tilespmem:s26+$0xA5C0] =	vst.add.f32.msk $0xffff, v30  }
0x18c: {  	s28 =	simm.s32 $0x0;
	s29 =	simm.s32 $0x800;
	[tilespmem:s26+$0xA5D0] =	vst.add.f32.msk $0xffff, v31  }
.LBB2_9:
0x18d: {  	s28 =	sadd.s32 $0x8, s28;
	[tilespmem:s26+$0xA5E0] =	vst.add.f32.msk $0xffff, v1;
	s26 =	sshra.s32 s29, $0x2  }
0x18e: {  	v1 =	vld [tilespmem:s26+$0x125F0];
	p1 =	slt.u32 s28, $0x78  }
0x18f: {  	v2 =	vld [tilespmem:s26+$0x12400]  }
0x190: {  	v3 =	vld [tilespmem:s26+$0x12410]  }
0x191: {  	v4 =	vld [tilespmem:s26+$0x12420]  }
0x192: {  	v5 =	vld [tilespmem:s26+$0x12430]  }
0x193: {  	[tilespmem:s26+$0xA5F0] =	vst.add.f32.msk $0xffff, v1  }
0x194: {  	v6 =	vld [tilespmem:s26+$0x12440]  }
0x195: {  	v7 =	vld [tilespmem:s26+$0x12450]  }
0x196: {  	v8 =	vld [tilespmem:s26+$0x12460]  }
0x197: {  	v9 =	vld [tilespmem:s26+$0x12470]  }
0x198: {  	v10 =	vld [tilespmem:s26+$0x12480]  }
0x199: {  	v11 =	vld [tilespmem:s26+$0x12490]  }
0x19a: {  	v12 =	vld [tilespmem:s26+$0x124A0]  }
0x19b: {  	v13 =	vld [tilespmem:s26+$0x124B0]  }
0x19c: {  	v14 =	vld [tilespmem:s26+$0x124C0]  }
0x19d: {  	v15 =	vld [tilespmem:s26+$0x124D0]  }
0x19e: {  	v16 =	vld [tilespmem:s26+$0x124E0]  }
0x19f: {  	v17 =	vld [tilespmem:s26+$0x124F0]  }
0x1a0: {  	v18 =	vld [tilespmem:s26+$0x12500]  }
0x1a1: {  	v19 =	vld [tilespmem:s26+$0x12510]  }
0x1a2: {  	v20 =	vld [tilespmem:s26+$0x12520]  }
0x1a3: {  	v21 =	vld [tilespmem:s26+$0x12530]  }
0x1a4: {  	v22 =	vld [tilespmem:s26+$0x12540]  }
0x1a5: {  	v23 =	vld [tilespmem:s26+$0x12550]  }
0x1a6: {  	v24 =	vld [tilespmem:s26+$0x12560]  }
0x1a7: {  	v25 =	vld [tilespmem:s26+$0x12570]  }
0x1a8: {  	v26 =	vld [tilespmem:s26+$0x12580]  }
0x1a9: {  	v27 =	vld [tilespmem:s26+$0x12590]  }
0x1aa: {  	v28 =	vld [tilespmem:s26+$0x125A0]  }
0x1ab: {  	v29 =	vld [tilespmem:s26+$0x125B0]  }
0x1ac: {  	v30 =	vld [tilespmem:s26+$0x125C0]  }
0x1ad: {  	v31 =	vld [tilespmem:s26+$0x125D0]  }
0x1ae: {  	v1 =	vld [tilespmem:s26+$0x125E0]  }
0x1af: {  	[tilespmem:s26+$0xA400] =	vst.add.f32.msk $0xffff, v2  }
0x1b0: {  	[tilespmem:s26+$0xA410] =	vst.add.f32.msk $0xffff, v3  }
0x1b1: {  	[tilespmem:s26+$0xA420] =	vst.add.f32.msk $0xffff, v4  }
0x1b2: {  	[tilespmem:s26+$0xA430] =	vst.add.f32.msk $0xffff, v5  }
0x1b3: {  	[tilespmem:s26+$0xA440] =	vst.add.f32.msk $0xffff, v6  }
0x1b4: {  	[tilespmem:s26+$0xA450] =	vst.add.f32.msk $0xffff, v7  }
0x1b5: {  	[tilespmem:s26+$0xA460] =	vst.add.f32.msk $0xffff, v8  }
0x1b6: {  	[tilespmem:s26+$0xA470] =	vst.add.f32.msk $0xffff, v9  }
0x1b7: {  	[tilespmem:s26+$0xA480] =	vst.add.f32.msk $0xffff, v10  }
0x1b8: {  	[tilespmem:s26+$0xA490] =	vst.add.f32.msk $0xffff, v11  }
0x1b9: {  	[tilespmem:s26+$0xA4A0] =	vst.add.f32.msk $0xffff, v12  }
0x1ba: {  	[tilespmem:s26+$0xA4B0] =	vst.add.f32.msk $0xffff, v13  }
0x1bb: {  	[tilespmem:s26+$0xA4C0] =	vst.add.f32.msk $0xffff, v14  }
0x1bc: {  	[tilespmem:s26+$0xA4D0] =	vst.add.f32.msk $0xffff, v15  }
0x1bd: {  	[tilespmem:s26+$0xA4E0] =	vst.add.f32.msk $0xffff, v16  }
0x1be: {  	[tilespmem:s26+$0xA4F0] =	vst.add.f32.msk $0xffff, v17  }
0x1bf: {  	[tilespmem:s26+$0xA500] =	vst.add.f32.msk $0xffff, v18  }
0x1c0: {  	[tilespmem:s26+$0xA510] =	vst.add.f32.msk $0xffff, v19  }
0x1c1: {  	[tilespmem:s26+$0xA520] =	vst.add.f32.msk $0xffff, v20  }
0x1c2: {  	[tilespmem:s26+$0xA530] =	vst.add.f32.msk $0xffff, v21  }
0x1c3: {  	[tilespmem:s26+$0xA540] =	vst.add.f32.msk $0xffff, v22  }
0x1c4: {  	[tilespmem:s26+$0xA550] =	vst.add.f32.msk $0xffff, v23  }
0x1c5: {  	[tilespmem:s26+$0xA560] =	vst.add.f32.msk $0xffff, v24  }
0x1c6: {  	[tilespmem:s26+$0xA570] =	vst.add.f32.msk $0xffff, v25  }
0x1c7: {  	[tilespmem:s26+$0xA580] =	vst.add.f32.msk $0xffff, v26  }
.Ltmp5:
0x1c8: {  	[tilespmem:s26+$0xA590] =	vst.add.f32.msk $0xffff, v27;
	(pc) =	sbr.rel @p1 .LBB2_9-.Ltmp5, $4  }
0x1c9: {  	[tilespmem:s26+$0xA5A0] =	vst.add.f32.msk $0xffff, v28  }
0x1ca: {  	[tilespmem:s26+$0xA5B0] =	vst.add.f32.msk $0xffff, v29  }
0x1cb: {  	[tilespmem:s26+$0xA5C0] =	vst.add.f32.msk $0xffff, v30  }
0x1cc: {  	s29 =	sadd.s32 $0x800, s29;
	[tilespmem:s26+$0xA5D0] =	vst.add.f32.msk $0xffff, v31  }
0x1cd: {  	[tilespmem:s26+$0xA5E0] =	vst.add.f32.msk $0xffff, v1;
	s25 =	sadd.s32 @!p0 $0x300, s25;
	s26 =	simm.s32 @!p0 $0x80;
	s28 =	simm.s32 @!p0 $0x12400  }
0x1ce: {  	[tilespmem:s28], [sflag:$0x3] =	stream.indirect.gather @!p0 [hbm4b:s3+s26], $0x40, s25, s26, $0xb8;
	[tilespmem:$0x16400] =	vst v63  }
0x1cf: {  	_ =	swait.ge [sflag:s20], $0x2000  }
0x1d0: {  	[sflag:s20] =	ssyncset.done $0x0  }
0x1d1: {  	s25 =	simm.s32 $0x0;
	[sflag:s20] =	ssyncadd.s32 $0xFFFFE000  }
0x1d2: {  	v1 =	vld [tilespmem:s25+$0x145F0]  }
0x1d3: {  	v2 =	vld [tilespmem:s25+$0x14400]  }
0x1d4: {  	v3 =	vld [tilespmem:s25+$0x14410]  }
0x1d5: {  	v4 =	vld [tilespmem:s25+$0x14420]  }
0x1d6: {  	v5 =	vld [tilespmem:s25+$0x14430]  }
0x1d7: {  	v6 =	vld [tilespmem:s25+$0x14440]  }
0x1d8: {  	v7 =	vld [tilespmem:s25+$0x14450]  }
0x1d9: {  	v8 =	vld [tilespmem:s25+$0x14460]  }
0x1da: {  	v9 =	vld [tilespmem:s25+$0x14470]  }
0x1db: {  	v10 =	vld [tilespmem:s25+$0x14480]  }
0x1dc: {  	v11 =	vld [tilespmem:s25+$0x14490]  }
0x1dd: {  	v12 =	vld [tilespmem:s25+$0x144A0]  }
0x1de: {  	v13 =	vld [tilespmem:s25+$0x144B0]  }
0x1df: {  	v14 =	vld [tilespmem:s25+$0x144C0]  }
0x1e0: {  	v15 =	vld [tilespmem:s25+$0x144D0]  }
0x1e1: {  	v16 =	vld [tilespmem:s25+$0x144E0]  }
0x1e2: {  	v17 =	vld [tilespmem:s25+$0x144F0]  }
0x1e3: {  	v18 =	vld [tilespmem:s25+$0x14500]  }
0x1e4: {  	v19 =	vld [tilespmem:s25+$0x14510]  }
0x1e5: {  	v20 =	vld [tilespmem:s25+$0x14520]  }
0x1e6: {  	v21 =	vld [tilespmem:s25+$0x14530]  }
0x1e7: {  	v22 =	vld [tilespmem:s25+$0x14540]  }
0x1e8: {  	v23 =	vld [tilespmem:s25+$0x14550]  }
0x1e9: {  	v24 =	vld [tilespmem:s25+$0x14560]  }
0x1ea: {  	v25 =	vld [tilespmem:s25+$0x14570]  }
0x1eb: {  	v26 =	vld [tilespmem:s25+$0x14580]  }
0x1ec: {  	v27 =	vld [tilespmem:s25+$0x14590]  }
0x1ed: {  	v28 =	vld [tilespmem:s25+$0x145A0]  }
0x1ee: {  	v29 =	vld [tilespmem:s25+$0x145B0]  }
0x1ef: {  	v30 =	vld [tilespmem:s25+$0x145C0]  }
0x1f0: {  	v31 =	vld [tilespmem:s25+$0x145D0]  }
0x1f1: {  	[tilespmem:s25+$0xC5F0] =	vst.add.f32.msk $0xffff, v1  }
0x1f2: {  	v1 =	vld [tilespmem:s25+$0x145E0]  }
0x1f3: {  	[tilespmem:s25+$0xC400] =	vst.add.f32.msk $0xffff, v2  }
0x1f4: {  	[tilespmem:s25+$0xC410] =	vst.add.f32.msk $0xffff, v3  }
0x1f5: {  	[tilespmem:s25+$0xC420] =	vst.add.f32.msk $0xffff, v4  }
0x1f6: {  	[tilespmem:s25+$0xC430] =	vst.add.f32.msk $0xffff, v5  }
0x1f7: {  	[tilespmem:s25+$0xC440] =	vst.add.f32.msk $0xffff, v6  }
0x1f8: {  	[tilespmem:s25+$0xC450] =	vst.add.f32.msk $0xffff, v7  }
0x1f9: {  	[tilespmem:s25+$0xC460] =	vst.add.f32.msk $0xffff, v8  }
0x1fa: {  	[tilespmem:s25+$0xC470] =	vst.add.f32.msk $0xffff, v9  }
0x1fb: {  	[tilespmem:s25+$0xC480] =	vst.add.f32.msk $0xffff, v10  }
0x1fc: {  	[tilespmem:s25+$0xC490] =	vst.add.f32.msk $0xffff, v11  }
0x1fd: {  	[tilespmem:s25+$0xC4A0] =	vst.add.f32.msk $0xffff, v12  }
0x1fe: {  	[tilespmem:s25+$0xC4B0] =	vst.add.f32.msk $0xffff, v13  }
0x1ff: {  	[tilespmem:s25+$0xC4C0] =	vst.add.f32.msk $0xffff, v14  }
0x200: {  	[tilespmem:s25+$0xC4D0] =	vst.add.f32.msk $0xffff, v15  }
0x201: {  	[tilespmem:s25+$0xC4E0] =	vst.add.f32.msk $0xffff, v16  }
0x202: {  	[tilespmem:s25+$0xC4F0] =	vst.add.f32.msk $0xffff, v17  }
0x203: {  	[tilespmem:s25+$0xC500] =	vst.add.f32.msk $0xffff, v18  }
0x204: {  	[tilespmem:s25+$0xC510] =	vst.add.f32.msk $0xffff, v19  }
0x205: {  	[tilespmem:s25+$0xC520] =	vst.add.f32.msk $0xffff, v20  }
0x206: {  	[tilespmem:s25+$0xC530] =	vst.add.f32.msk $0xffff, v21  }
0x207: {  	[tilespmem:s25+$0xC540] =	vst.add.f32.msk $0xffff, v22  }
0x208: {  	[tilespmem:s25+$0xC550] =	vst.add.f32.msk $0xffff, v23  }
0x209: {  	[tilespmem:s25+$0xC560] =	vst.add.f32.msk $0xffff, v24  }
0x20a: {  	[tilespmem:s25+$0xC570] =	vst.add.f32.msk $0xffff, v25  }
0x20b: {  	[tilespmem:s25+$0xC580] =	vst.add.f32.msk $0xffff, v26  }
0x20c: {  	[tilespmem:s25+$0xC590] =	vst.add.f32.msk $0xffff, v27  }
0x20d: {  	[tilespmem:s25+$0xC5A0] =	vst.add.f32.msk $0xffff, v28  }
0x20e: {  	[tilespmem:s25+$0xC5B0] =	vst.add.f32.msk $0xffff, v29  }
0x20f: {  	[tilespmem:s25+$0xC5C0] =	vst.add.f32.msk $0xffff, v30  }
0x210: {  	s26 =	simm.s32 $0x0;
	s28 =	simm.s32 $0x800;
	[tilespmem:s25+$0xC5D0] =	vst.add.f32.msk $0xffff, v31  }
.LBB2_11:
0x211: {  	s26 =	sadd.s32 $0x8, s26;
	[tilespmem:s25+$0xC5E0] =	vst.add.f32.msk $0xffff, v1;
	s25 =	sshra.s32 s28, $0x2  }
0x212: {  	v1 =	vld [tilespmem:s25+$0x145F0];
	p1 =	slt.u32 s26, $0x78  }
0x213: {  	v2 =	vld [tilespmem:s25+$0x14400]  }
0x214: {  	v3 =	vld [tilespmem:s25+$0x14410]  }
0x215: {  	v4 =	vld [tilespmem:s25+$0x14420]  }
0x216: {  	v5 =	vld [tilespmem:s25+$0x14430]  }
0x217: {  	[tilespmem:s25+$0xC5F0] =	vst.add.f32.msk $0xffff, v1  }
0x218: {  	v6 =	vld [tilespmem:s25+$0x14440]  }
0x219: {  	v7 =	vld [tilespmem:s25+$0x14450]  }
0x21a: {  	v8 =	vld [tilespmem:s25+$0x14460]  }
0x21b: {  	v9 =	vld [tilespmem:s25+$0x14470]  }
0x21c: {  	v10 =	vld [tilespmem:s25+$0x14480]  }
0x21d: {  	v11 =	vld [tilespmem:s25+$0x14490]  }
0x21e: {  	v12 =	vld [tilespmem:s25+$0x144A0]  }
0x21f: {  	v13 =	vld [tilespmem:s25+$0x144B0]  }
0x220: {  	v14 =	vld [tilespmem:s25+$0x144C0]  }
0x221: {  	v15 =	vld [tilespmem:s25+$0x144D0]  }
0x222: {  	v16 =	vld [tilespmem:s25+$0x144E0]  }
0x223: {  	v17 =	vld [tilespmem:s25+$0x144F0]  }
0x224: {  	v18 =	vld [tilespmem:s25+$0x14500]  }
0x225: {  	v19 =	vld [tilespmem:s25+$0x14510]  }
0x226: {  	v20 =	vld [tilespmem:s25+$0x14520]  }
0x227: {  	v21 =	vld [tilespmem:s25+$0x14530]  }
0x228: {  	v22 =	vld [tilespmem:s25+$0x14540]  }
0x229: {  	v23 =	vld [tilespmem:s25+$0x14550]  }
0x22a: {  	v24 =	vld [tilespmem:s25+$0x14560]  }
0x22b: {  	v25 =	vld [tilespmem:s25+$0x14570]  }
0x22c: {  	v26 =	vld [tilespmem:s25+$0x14580]  }
0x22d: {  	v27 =	vld [tilespmem:s25+$0x14590]  }
0x22e: {  	v28 =	vld [tilespmem:s25+$0x145A0]  }
0x22f: {  	v29 =	vld [tilespmem:s25+$0x145B0]  }
0x230: {  	v30 =	vld [tilespmem:s25+$0x145C0]  }
0x231: {  	v31 =	vld [tilespmem:s25+$0x145D0]  }
0x232: {  	v1 =	vld [tilespmem:s25+$0x145E0]  }
0x233: {  	[tilespmem:s25+$0xC400] =	vst.add.f32.msk $0xffff, v2  }
0x234: {  	[tilespmem:s25+$0xC410] =	vst.add.f32.msk $0xffff, v3  }
0x235: {  	[tilespmem:s25+$0xC420] =	vst.add.f32.msk $0xffff, v4  }
0x236: {  	[tilespmem:s25+$0xC430] =	vst.add.f32.msk $0xffff, v5  }
0x237: {  	[tilespmem:s25+$0xC440] =	vst.add.f32.msk $0xffff, v6  }
0x238: {  	[tilespmem:s25+$0xC450] =	vst.add.f32.msk $0xffff, v7  }
0x239: {  	[tilespmem:s25+$0xC460] =	vst.add.f32.msk $0xffff, v8  }
0x23a: {  	[tilespmem:s25+$0xC470] =	vst.add.f32.msk $0xffff, v9  }
0x23b: {  	[tilespmem:s25+$0xC480] =	vst.add.f32.msk $0xffff, v10  }
0x23c: {  	[tilespmem:s25+$0xC490] =	vst.add.f32.msk $0xffff, v11  }
0x23d: {  	[tilespmem:s25+$0xC4A0] =	vst.add.f32.msk $0xffff, v12  }
0x23e: {  	[tilespmem:s25+$0xC4B0] =	vst.add.f32.msk $0xffff, v13  }
0x23f: {  	[tilespmem:s25+$0xC4C0] =	vst.add.f32.msk $0xffff, v14  }
0x240: {  	[tilespmem:s25+$0xC4D0] =	vst.add.f32.msk $0xffff, v15  }
0x241: {  	[tilespmem:s25+$0xC4E0] =	vst.add.f32.msk $0xffff, v16  }
0x242: {  	[tilespmem:s25+$0xC4F0] =	vst.add.f32.msk $0xffff, v17  }
0x243: {  	[tilespmem:s25+$0xC500] =	vst.add.f32.msk $0xffff, v18  }
0x244: {  	[tilespmem:s25+$0xC510] =	vst.add.f32.msk $0xffff, v19  }
0x245: {  	[tilespmem:s25+$0xC520] =	vst.add.f32.msk $0xffff, v20  }
0x246: {  	[tilespmem:s25+$0xC530] =	vst.add.f32.msk $0xffff, v21  }
0x247: {  	[tilespmem:s25+$0xC540] =	vst.add.f32.msk $0xffff, v22  }
0x248: {  	[tilespmem:s25+$0xC550] =	vst.add.f32.msk $0xffff, v23  }
0x249: {  	[tilespmem:s25+$0xC560] =	vst.add.f32.msk $0xffff, v24  }
0x24a: {  	[tilespmem:s25+$0xC570] =	vst.add.f32.msk $0xffff, v25  }
0x24b: {  	[tilespmem:s25+$0xC580] =	vst.add.f32.msk $0xffff, v26  }
.Ltmp6:
0x24c: {  	[tilespmem:s25+$0xC590] =	vst.add.f32.msk $0xffff, v27;
	(pc) =	sbr.rel @p1 .LBB2_11-.Ltmp6, $4  }
0x24d: {  	[tilespmem:s25+$0xC5A0] =	vst.add.f32.msk $0xffff, v28  }
0x24e: {  	[tilespmem:s25+$0xC5B0] =	vst.add.f32.msk $0xffff, v29  }
0x24f: {  	[tilespmem:s25+$0xC5C0] =	vst.add.f32.msk $0xffff, v30  }
0x250: {  	s28 =	sadd.s32 $0x800, s28;
	[tilespmem:s25+$0xC5D0] =	vst.add.f32.msk $0xffff, v31  }
.Ltmp7:
0x251: {  	(pc) =	sbr.rel @p0 .LBB2_14-.Ltmp7, $2  }
0x252: {  	_ =	sdelay $0x2  }
0x253: {  	[tilespmem:s25+$0xC5E0] =	vst.add.f32.msk $0xffff, v1  }
.Ltmp8:
0x254: {  	(pc) =	sbr.rel .LBB2_4-.Ltmp8, $4  }
0x255: {  	_ = 	snop  }
0x256: {  	s24 =	sshrl.u32 s24, $0x2  }
0x257: {  	s23 =	sadd.s32 $0x1, s23;
	s24 =	sadd.s32 $0x380, s24  }
0x258: {  	[tilespmem:s16], [sflag:$0x4] =	stream.indirect.gather [hbm4b:s3+s10], $0x40, s24, s10, $0xb8;
	[tilespmem:$0x16400] =	vst v63  }
.LBB2_15:
0x259: {  	_ =	sfence.sel $0x180000  }
0x25a: {  	[bflag:$0x0] =	sbarrier.arrive $0xFFFF  }
0x25b: {  	p0 =	sne.s32 s1, $0x0;
	_ =	strace $0x90000047  }
0x25c: {  	s0 =	sadd.s32 @!p0 $0x100000, s0;
	[bflag:$0x2] =	sbarrier.arrive $0xFFFF  }
0x25d: {  	[sflag:s0] =	ssyncadd.tile.s32 @!p0 $0x1;
	_ =	shalt  }
.Lfunc_end2:
_tile_overlayer_lowered:
.L_overlay_start_2:
0x25e: {  	(tag) =	ssettag $0x2  }
0x25f: {  	s0 =	rddreg [dreg:$0x0];
	s2 =	stileid.u32  }
0x260: {  	s1 =	rddreg [dreg:$0x1];
	p0 =	sne.s32 s2, $0x0  }
0x261: {  	s3 =	rddreg [dreg:$0x2];
	[bflag:$0x3] =	sbarrier.arrive $0xFFFF;
	s2 =	simm.s32 @!p0 $0x1C05  }
0x262: {  	[timem:s3], [sflag:s2] =	dma.local @!p0 [hbm:s0], s1  }
0x263: {  	s0 =	simm.s32 @!p0 $0x5  }
0x264: {  	_ =	swait.ge @!p0 [sflag:s0], s1  }
0x265: {  	s1 =	ssub.s32 @!p0 $0x0, s1;
	[sflag:s0] =	ssyncset.done @!p0 $0x0  }
0x266: {  	[sflag:s0] =	ssyncadd.s32 @!p0 s1  }
0x267: {  	[bflag:$0x3] =	sbarrier.arrive $0xFFFF  }
0x268: {  	_ =	shalt  }

</sc_bundles>
